<compile_context>
chip_gen: v7x
topology: tpu7x:2x2x1
jax: 0.10.2.dev20260603
libtpu: 0.0.44.dev20260713+nightly
codegen_flags: <defaults>
</compile_context>

<pallas_src>
import functools

import jax
import jax.numpy as jnp
import numpy as np
from jax import lax
from jax.experimental import pallas as pl
from jax.experimental.pallas import tpu as pltpu
from jax.experimental.pallas import tpu_sc as plsc

B = 16384
EDIM = 32
PK = 128
RPP = 8
HALF = EDIM // 2


def _transpose_body(*refs):
    ins = refs[:RPP]
    e_even, e_odd, out = refs[RPP], refs[RPP + 1], refs[RPP + 2]
    dn0 = (((0,), (0,)), ((), ()))
    stacked = jnp.concatenate([r[...] for r in ins], axis=0)
    sb = stacked.astype(jnp.bfloat16)
    a = lax.dot_general(sb, e_even[...], dn0,
                        preferred_element_type=jnp.float32)
    b = lax.dot_general(sb, e_odd[...], dn0,
                        preferred_element_type=jnp.float32)
    a16 = lax.bitcast_convert_type(a.astype(jnp.bfloat16), jnp.uint16)
    b16 = lax.bitcast_convert_type(b.astype(jnp.bfloat16), jnp.uint16)
    packed = a16.astype(jnp.uint32) | (b16.astype(jnp.uint32) << 16)
    out[...] = lax.bitcast_convert_type(packed, jnp.int32)


def _sel_mats():
    e_even = np.zeros((RPP * EDIM, PK), np.float32)
    e_odd = np.zeros((RPP * EDIM, PK), np.float32)
    for s in range(RPP):
        for e in range(HALF):
            e_even[EDIM * s + 2 * e, HALF * s + e] = 1.0
            e_odd[EDIM * s + 2 * e + 1, HALF * s + e] = 1.0
    return (jnp.asarray(e_even, jnp.bfloat16),
            jnp.asarray(e_odd, jnp.bfloat16))


def _transpose_tc(tab_t, q, blk):
    n = tab_t.shape[1]
    grid = q // blk
    max_bi = (n - 1) // blk
    specs = []
    for s in range(RPP):
        specs.append(
            pl.BlockSpec(
                (EDIM, blk),
                lambda i, s=s: (0, jnp.minimum(i + s * (q // blk), max_bi))))
    specs.append(pl.BlockSpec((RPP * EDIM, PK), lambda i: (0, 0)))
    specs.append(pl.BlockSpec((RPP * EDIM, PK), lambda i: (0, 0)))
    e_even, e_odd = _sel_mats()
    return pl.pallas_call(
        _transpose_body,
        grid=(grid,),
        in_specs=specs,
        out_specs=pl.BlockSpec((blk, PK), lambda i: (i, 0)),
        out_shape=jax.ShapeDtypeStruct((q, PK), jnp.int32),
    )(*([tab_t] * RPP), e_even, e_odd)


@functools.cache
def _make_sc_gather(q):
    info = plsc.get_sparse_core_info()
    num_cores, num_subcores = info.num_cores, info.num_subcores
    nw = num_cores * num_subcores
    b_per_w = B // nw

    mesh = plsc.VectorSubcoreMesh(core_axis_name="c", subcore_axis_name="s")

    @functools.partial(
        pl.kernel,
        mesh=mesh,
        out_type=jax.ShapeDtypeStruct((B, PK), jnp.int32),
        scratch_types=[
            pltpu.VMEM((b_per_w,), jnp.int32),
            pltpu.VMEM((b_per_w, PK), jnp.int32),
            pltpu.SemaphoreType.DMA,
        ],
        compiler_params=pltpu.CompilerParams(use_tc_tiling_on_sc=False),
    )
    def sc_gather(tab_hbm, idx_hbm, out_hbm, idx_v, rows_v, sem):
        wid = lax.axis_index("s") * num_cores + lax.axis_index("c")
        base = wid * b_per_w
        pltpu.sync_copy(idx_hbm.at[pl.ds(base, b_per_w)], idx_v)
        pltpu.async_copy(tab_hbm.at[idx_v], rows_v, sem).wait()
        pltpu.sync_copy(rows_v, out_hbm.at[pl.ds(base, b_per_w)])

    return sc_gather


def _unpack(v32):
    v = lax.bitcast_convert_type(v32, jnp.uint32)
    lo = lax.bitcast_convert_type((v & 0xFFFF).astype(jnp.uint16),
                                  jnp.bfloat16).astype(jnp.float32)
    hi = lax.bitcast_convert_type((v >> 16).astype(jnp.uint16),
                                  jnp.bfloat16).astype(jnp.float32)
    return lo, hi


def _mlp_body(ue, usel, me, msel, dn, wlo, whi, w1d, b1, w2, b2, w3,
              b3, out):
    blk = ue.shape[0]
    lane = jax.lax.broadcasted_iota(jnp.int32, (blk, PK), 1) // HALF
    ulo, uhi = _unpack(ue[...])
    mlo, mhi = _unpack(me[...])
    umask = lane == usel[...]
    mmask = lane == msel[...]
    xlo = jnp.concatenate([jnp.where(umask, ulo, 0.0),
                           jnp.where(mmask, mlo, 0.0)], axis=1)
    xhi = jnp.concatenate([jnp.where(umask, uhi, 0.0),
                           jnp.where(mmask, mhi, 0.0)], axis=1)
    h = jnp.dot(xlo, wlo[...], preferred_element_type=jnp.float32)
    h = h + jnp.dot(xhi, whi[...], preferred_element_type=jnp.float32)
    h = h + jnp.dot(dn[...], w1d[...], preferred_element_type=jnp.float32)
    h = jnp.maximum(h + b1[...], 0.0)
    h = jnp.dot(h, w2[...], preferred_element_type=jnp.float32)
    h = jnp.maximum(h + b2[...], 0.0)
    o = jnp.dot(h, w3[...], preferred_element_type=jnp.float32) + b3[...]
    out[...] = 6.0 * jax.nn.sigmoid(o)


def _mlp(ue, usel, me, msel, dn, wlo, whi, w1d, b1, w2, b2, w3, b3,
         blk=4096):
    grid = B // blk
    h1 = wlo.shape[1]
    h2 = w2.shape[1]
    ddim = dn.shape[1]

    def row_spec(d):
        return pl.BlockSpec((blk, d), lambda i: (i, 0))

    def rep_spec(shape):
        nd = len(shape)
        return pl.BlockSpec(shape, lambda i: (0,) * nd)

    return pl.pallas_call(
        _mlp_body,
        grid=(grid,),
        in_specs=[
            row_spec(PK),
            row_spec(1),
            row_spec(PK),
            row_spec(1),
            row_spec(ddim),
            rep_spec((2 * PK, h1)),
            rep_spec((2 * PK, h1)),
            rep_spec((ddim, h1)),
            rep_spec((h1,)),
            rep_spec((h1, h2)),
            rep_spec((h2,)),
            rep_spec((h2, 1)),
            rep_spec((1,)),
        ],
        out_specs=pl.BlockSpec((blk, 1), lambda i: (i, 0)),
        out_shape=jax.ShapeDtypeStruct((B, 1), jnp.float32),
    )(ue, usel, me, msel, dn, wlo, whi, w1d, b1, w2, b2, w3, b3)


def kernel(users, genders, ages, movies, genres, user_table, movie_table,
           W1, b1, W2, b2, W3, b3):
    users = users.astype(jnp.int32)
    movies = movies.astype(jnp.int32)
    qu = 131072
    qm = 12544
    mp = _transpose_tc(movie_table.T, qm, blk=1792)
    me = _make_sc_gather(qm)(mp, movies % qm)
    up = _transpose_tc(user_table.T, qu, blk=8192)
    ue = _make_sc_gather(qu)(up, users % qu)
    usel = (users // qu).reshape(B, 1)
    msel = (movies // qm).reshape(B, 1)
    dense = jnp.concatenate([genders, ages, genres], axis=1)
    w1u = W1[:32]
    w1d = jnp.concatenate([W1[32:41], W1[73:91]], axis=0)
    w1m = W1[41:73]
    wlo = jnp.concatenate([jnp.tile(w1u[0::2], (RPP, 1)),
                           jnp.tile(w1m[0::2], (RPP, 1))], axis=0)
    whi = jnp.concatenate([jnp.tile(w1u[1::2], (RPP, 1)),
                           jnp.tile(w1m[1::2], (RPP, 1))], axis=0)
    return _mlp(ue, usel, me, msel, dense, wlo, whi, w1d, b1, W2, b2, W3, b3)

# --- scband reference (transcript-rebuilt; emitter-appended) ---
"""Pipeline reference for scband-rating-predictor-78640851190005 (READ-ONLY COPY).

The authoritative reference and input builder live on the scoring server;
editing this copy changes nothing except your own understanding.
"""

import jax, jax.numpy as jnp
import numpy as np

B = 16384
N_USERS = 1000000
N_MOVIES = 100000
USER_DIM = 32
MOVIE_DIM = 32
N_GENDERS = 2
N_AGES = 7
N_GENRES = 18
IN_DIM = USER_DIM + N_GENDERS + N_AGES + MOVIE_DIM + N_GENRES  # 91


def setup_inputs(seed: int = 0) -> dict:
    key = jax.random.key(seed)
    ks = jax.random.split(key, 16)
    users = jax.random.randint(ks[0], (B,), 0, N_USERS)
    genders = jax.random.uniform(ks[1], (B, N_GENDERS), dtype=jnp.float32)
    ages = jax.random.uniform(ks[2], (B, N_AGES), dtype=jnp.float32)
    movies = jax.random.randint(ks[3], (B,), 0, N_MOVIES)
    genres = jax.random.uniform(ks[4], (B, N_GENRES), dtype=jnp.float32)
    user_table = jax.random.normal(ks[5], (N_USERS, USER_DIM), dtype=jnp.float32) * 0.05
    movie_table = jax.random.normal(ks[6], (N_MOVIES, MOVIE_DIM), dtype=jnp.float32) * 0.05
    W1 = jax.random.normal(ks[7], (IN_DIM, 200), dtype=jnp.float32) * (1.0 / np.sqrt(IN_DIM))
    b1 = jnp.zeros((200,), jnp.float32)
    W2 = jax.random.normal(ks[8], (200, 100), dtype=jnp.float32) * (1.0 / np.sqrt(200))
    b2 = jnp.zeros((100,), jnp.float32)
    W3 = jax.random.normal(ks[9], (100, 1), dtype=jnp.float32) * (1.0 / np.sqrt(100))
    b3 = jnp.zeros((1,), jnp.float32)
    return {
        'users': users, 'genders': genders, 'ages': ages, 'movies': movies, 'genres': genres,
        'user_table': user_table, 'movie_table': movie_table,
        'W1': W1, 'b1': b1, 'W2': W2, 'b2': b2, 'W3': W3, 'b3': b3,
    }


def reference(users, genders, ages, movies, genres, user_table, movie_table, W1, b1, W2, b2, W3, b3):
    user_embedded = jnp.take(user_table, users, axis=0)
    movie_embedded = jnp.take(movie_table, movies, axis=0)
    x = jnp.concatenate((user_embedded, genders, ages, movie_embedded, genres), axis=1)
    h = jax.nn.relu(x @ W1 + b1)
    h = jax.nn.relu(h @ W2 + b2)
    out = jax.nn.sigmoid(h @ W3 + b3)
    return 6.0 * out

if __name__ == "__main__":
    import jax
    _d = setup_inputs()
    print(jax.jit(kernel)(*tuple(_d.values())))

</pallas_src>

<mosaic_0001>
#map = affine_map<(d0, d1) -> (0, 0)>
#map1 = affine_map<(d0, d1) -> (0)>
module attributes {stable_mosaic.version = 14 : i64} {
  func.func @sc_gather(%arg0: i32, %arg1: i32, %arg2: memref<131072x128xi32, #tpu.memory_space<hbm>>, %arg3: memref<16384xi32, #tpu.memory_space<hbm>>, %arg4: memref<16384x128xi32, #tpu.memory_space<hbm>>, %arg5: memref<512xi32, #tpu.memory_space<vmem>>, %arg6: memref<512x128xi32, #tpu.memory_space<vmem>>, %arg7: memref<!tpu.dma_semaphore, #tpu.memory_space<semaphore_mem>>) attributes {dimension_semantics = [#tpu.dimension_semantics<core_parallel>, #tpu.dimension_semantics<subcore_parallel>], iteration_bounds = array<i64: 2, 16>, scalar_prefetch = 0 : i64, scratch_operands = 3 : i64, tpu.core_type = #tpu.core_type<sc_vector_subcore>, window_params = [{transform_indices = #map}, {transform_indices = #map1}, {transform_indices = #map}]} {
    %mul3A = arith.constant 2 : i32
    %mul3A_0 = arith.muli %arg1, %mul3A : i32
    %add3A = arith.addi %mul3A_0, %arg0 : i32
    %mul3A_1 = arith.constant 512 : i32
    %mul3A_2 = arith.muli %add3A, %mul3A_1 : i32
    "tpu.region"() ({
      %run_scoped3A = tpu.sem_alloc : memref<!tpu.dma_semaphore, #tpu.memory_space<semaphore_mem>>
      %dma_start3A_7 = tpu.memref_slice %arg3[%mul3A_2] : memref<16384xi32, #tpu.memory_space<hbm>> -> memref<512xi32, #tpu.memory_space<hbm>>
      %dma_start3A_8 = tpu.memref_slice %arg3[%mul3A_2] : memref<16384xi32, #tpu.memory_space<hbm>> -> memref<512xi32, #tpu.memory_space<hbm>>
      tpu.enqueue_dma source(%dma_start3A_8 : memref<512xi32, #tpu.memory_space<hbm>>) target(%arg5 : memref<512xi32, #tpu.memory_space<vmem>>) target_semaphore(%run_scoped3A : memref<!tpu.dma_semaphore, #tpu.memory_space<semaphore_mem>>)
      %dma_wait3A_9 = tpu.memref_slice %arg3[%mul3A_2] : memref<16384xi32, #tpu.memory_space<hbm>> -> memref<512xi32, #tpu.memory_space<hbm>>
      %dma_wait3A_10 = tpu.memref_slice %arg3[%mul3A_2] : memref<16384xi32, #tpu.memory_space<hbm>> -> memref<512xi32, #tpu.memory_space<hbm>>
      tpu.wait_dma2 semaphore(%run_scoped3A : memref<!tpu.dma_semaphore, #tpu.memory_space<semaphore_mem>>) src(%dma_wait3A_10 : memref<512xi32, #tpu.memory_space<hbm>>) dst(%arg5 : memref<512xi32, #tpu.memory_space<vmem>>)
      tpu.yield
    }) : () -> ()
    %dma_start3A = arith.constant 0 : i32
    %dma_start3A_3 = arith.constant 0 : i32
    %dma_start3A_4 = tpu.memref_slice %arg2[%dma_start3A, %dma_start3A_3] : memref<131072x128xi32, #tpu.memory_space<hbm>> -> memref<131072x128xi32, #tpu.memory_space<hbm>>
    tpu.enqueue_indirect_dma source(%dma_start3A_4 : memref<131072x128xi32, #tpu.memory_space<hbm>>) target(%arg6 : memref<512x128xi32, #tpu.memory_space<vmem>>) offsets(%arg5 : memref<512xi32, #tpu.memory_space<vmem>>) semaphore(%arg7 : memref<!tpu.dma_semaphore, #tpu.memory_space<semaphore_mem>>)
    %dma_wait3A = arith.constant 0 : i32
    %dma_wait3A_5 = arith.constant 0 : i32
    %dma_wait3A_6 = tpu.memref_slice %arg2[%dma_wait3A, %dma_wait3A_5] : memref<131072x128xi32, #tpu.memory_space<hbm>> -> memref<131072x128xi32, #tpu.memory_space<hbm>>
    tpu.wait_indirect_dma semaphore(%arg7 : memref<!tpu.dma_semaphore, #tpu.memory_space<semaphore_mem>>) src(%dma_wait3A_6 : memref<131072x128xi32, #tpu.memory_space<hbm>>) dst(%arg6 : memref<512x128xi32, #tpu.memory_space<vmem>>)
    "tpu.region"() ({
      %run_scoped3A = tpu.sem_alloc : memref<!tpu.dma_semaphore, #tpu.memory_space<semaphore_mem>>
      %dma_start3A_7 = arith.constant 0 : i32
      %dma_start3A_8 = tpu.memref_slice %arg4[%mul3A_2, %dma_start3A_7] : memref<16384x128xi32, #tpu.memory_space<hbm>> -> memref<512x128xi32, #tpu.memory_space<hbm>>
      %dma_start3A_9 = arith.constant 0 : i32
      %dma_start3A_10 = tpu.memref_slice %arg4[%mul3A_2, %dma_start3A_9] : memref<16384x128xi32, #tpu.memory_space<hbm>> -> memref<512x128xi32, #tpu.memory_space<hbm>>
      tpu.enqueue_dma source(%arg6 : memref<512x128xi32, #tpu.memory_space<vmem>>) target(%dma_start3A_10 : memref<512x128xi32, #tpu.memory_space<hbm>>) target_semaphore(%run_scoped3A : memref<!tpu.dma_semaphore, #tpu.memory_space<semaphore_mem>>)
      %dma_wait3A_11 = arith.constant 0 : i32
      %dma_wait3A_12 = tpu.memref_slice %arg4[%mul3A_2, %dma_wait3A_11] : memref<16384x128xi32, #tpu.memory_space<hbm>> -> memref<512x128xi32, #tpu.memory_space<hbm>>
      %dma_wait3A_13 = arith.constant 0 : i32
      %dma_wait3A_14 = tpu.memref_slice %arg4[%mul3A_2, %dma_wait3A_13] : memref<16384x128xi32, #tpu.memory_space<hbm>> -> memref<512x128xi32, #tpu.memory_space<hbm>>
      tpu.wait_dma2 semaphore(%run_scoped3A : memref<!tpu.dma_semaphore, #tpu.memory_space<semaphore_mem>>) src(%arg6 : memref<512x128xi32, #tpu.memory_space<vmem>>) dst(%dma_wait3A_14 : memref<512x128xi32, #tpu.memory_space<hbm>>)
      tpu.yield
    }) : () -> ()
    return
  }
}

#map = affine_map<(d0, d1) -> (0, 0)>
#map1 = affine_map<(d0, d1) -> (0)>
module attributes {stable_mosaic.version = 14 : i64} {
  func.func @sc_gather(%arg0: i32, %arg1: i32, %arg2: memref<12544x128xi32, #tpu.memory_space<hbm>>, %arg3: memref<16384xi32, #tpu.memory_space<hbm>>, %arg4: memref<16384x128xi32, #tpu.memory_space<hbm>>, %arg5: memref<512xi32, #tpu.memory_space<vmem>>, %arg6: memref<512x128xi32, #tpu.memory_space<vmem>>, %arg7: memref<!tpu.dma_semaphore, #tpu.memory_space<semaphore_mem>>) attributes {dimension_semantics = [#tpu.dimension_semantics<core_parallel>, #tpu.dimension_semantics<subcore_parallel>], iteration_bounds = array<i64: 2, 16>, scalar_prefetch = 0 : i64, scratch_operands = 3 : i64, tpu.core_type = #tpu.core_type<sc_vector_subcore>, window_params = [{transform_indices = #map}, {transform_indices = #map1}, {transform_indices = #map}]} {
    %mul3A = arith.constant 2 : i32
    %mul3A_0 = arith.muli %arg1, %mul3A : i32
    %add3A = arith.addi %mul3A_0, %arg0 : i32
    %mul3A_1 = arith.constant 512 : i32
    %mul3A_2 = arith.muli %add3A, %mul3A_1 : i32
    "tpu.region"() ({
      %run_scoped3A = tpu.sem_alloc : memref<!tpu.dma_semaphore, #tpu.memory_space<semaphore_mem>>
      %dma_start3A_7 = tpu.memref_slice %arg3[%mul3A_2] : memref<16384xi32, #tpu.memory_space<hbm>> -> memref<512xi32, #tpu.memory_space<hbm>>
      %dma_start3A_8 = tpu.memref_slice %arg3[%mul3A_2] : memref<16384xi32, #tpu.memory_space<hbm>> -> memref<512xi32, #tpu.memory_space<hbm>>
      tpu.enqueue_dma source(%dma_start3A_8 : memref<512xi32, #tpu.memory_space<hbm>>) target(%arg5 : memref<512xi32, #tpu.memory_space<vmem>>) target_semaphore(%run_scoped3A : memref<!tpu.dma_semaphore, #tpu.memory_space<semaphore_mem>>)
      %dma_wait3A_9 = tpu.memref_slice %arg3[%mul3A_2] : memref<16384xi32, #tpu.memory_space<hbm>> -> memref<512xi32, #tpu.memory_space<hbm>>
      %dma_wait3A_10 = tpu.memref_slice %arg3[%mul3A_2] : memref<16384xi32, #tpu.memory_space<hbm>> -> memref<512xi32, #tpu.memory_space<hbm>>
      tpu.wait_dma2 semaphore(%run_scoped3A : memref<!tpu.dma_semaphore, #tpu.memory_space<semaphore_mem>>) src(%dma_wait3A_10 : memref<512xi32, #tpu.memory_space<hbm>>) dst(%arg5 : memref<512xi32, #tpu.memory_space<vmem>>)
      tpu.yield
    }) : () -> ()
    %dma_start3A = arith.constant 0 : i32
    %dma_start3A_3 = arith.constant 0 : i32
    %dma_start3A_4 = tpu.memref_slice %arg2[%dma_start3A, %dma_start3A_3] : memref<12544x128xi32, #tpu.memory_space<hbm>> -> memref<12544x128xi32, #tpu.memory_space<hbm>>
    tpu.enqueue_indirect_dma source(%dma_start3A_4 : memref<12544x128xi32, #tpu.memory_space<hbm>>) target(%arg6 : memref<512x128xi32, #tpu.memory_space<vmem>>) offsets(%arg5 : memref<512xi32, #tpu.memory_space<vmem>>) semaphore(%arg7 : memref<!tpu.dma_semaphore, #tpu.memory_space<semaphore_mem>>)
    %dma_wait3A = arith.constant 0 : i32
    %dma_wait3A_5 = arith.constant 0 : i32
    %dma_wait3A_6 = tpu.memref_slice %arg2[%dma_wait3A, %dma_wait3A_5] : memref<12544x128xi32, #tpu.memory_space<hbm>> -> memref<12544x128xi32, #tpu.memory_space<hbm>>
    tpu.wait_indirect_dma semaphore(%arg7 : memref<!tpu.dma_semaphore, #tpu.memory_space<semaphore_mem>>) src(%dma_wait3A_6 : memref<12544x128xi32, #tpu.memory_space<hbm>>) dst(%arg6 : memref<512x128xi32, #tpu.memory_space<vmem>>)
    "tpu.region"() ({
      %run_scoped3A = tpu.sem_alloc : memref<!tpu.dma_semaphore, #tpu.memory_space<semaphore_mem>>
      %dma_start3A_7 = arith.constant 0 : i32
      %dma_start3A_8 = tpu.memref_slice %arg4[%mul3A_2, %dma_start3A_7] : memref<16384x128xi32, #tpu.memory_space<hbm>> -> memref<512x128xi32, #tpu.memory_space<hbm>>
      %dma_start3A_9 = arith.constant 0 : i32
      %dma_start3A_10 = tpu.memref_slice %arg4[%mul3A_2, %dma_start3A_9] : memref<16384x128xi32, #tpu.memory_space<hbm>> -> memref<512x128xi32, #tpu.memory_space<hbm>>
      tpu.enqueue_dma source(%arg6 : memref<512x128xi32, #tpu.memory_space<vmem>>) target(%dma_start3A_10 : memref<512x128xi32, #tpu.memory_space<hbm>>) target_semaphore(%run_scoped3A : memref<!tpu.dma_semaphore, #tpu.memory_space<semaphore_mem>>)
      %dma_wait3A_11 = arith.constant 0 : i32
      %dma_wait3A_12 = tpu.memref_slice %arg4[%mul3A_2, %dma_wait3A_11] : memref<16384x128xi32, #tpu.memory_space<hbm>> -> memref<512x128xi32, #tpu.memory_space<hbm>>
      %dma_wait3A_13 = arith.constant 0 : i32
      %dma_wait3A_14 = tpu.memref_slice %arg4[%mul3A_2, %dma_wait3A_13] : memref<16384x128xi32, #tpu.memory_space<hbm>> -> memref<512x128xi32, #tpu.memory_space<hbm>>
      tpu.wait_dma2 semaphore(%run_scoped3A : memref<!tpu.dma_semaphore, #tpu.memory_space<semaphore_mem>>) src(%arg6 : memref<512x128xi32, #tpu.memory_space<vmem>>) dst(%dma_wait3A_14 : memref<512x128xi32, #tpu.memory_space<hbm>>)
      tpu.yield
    }) : () -> ()
    return
  }
}

module attributes {stable_mosaic.version = 14 : i64} {
  func.func @_transpose_body(%arg0: i32, %arg1: memref<32x1792xf32, #tpu.memory_space<vmem>>, %arg2: memref<32x1792xf32, #tpu.memory_space<vmem>>, %arg3: memref<32x1792xf32, #tpu.memory_space<vmem>>, %arg4: memref<32x1792xf32, #tpu.memory_space<vmem>>, %arg5: memref<32x1792xf32, #tpu.memory_space<vmem>>, %arg6: memref<32x1792xf32, #tpu.memory_space<vmem>>, %arg7: memref<32x1792xf32, #tpu.memory_space<vmem>>, %arg8: memref<32x1792xf32, #tpu.memory_space<vmem>>, %arg9: memref<256x128xbf16, #tpu.memory_space<vmem>>, %arg10: memref<256x128xbf16, #tpu.memory_space<vmem>>, %arg11: memref<1792x128xi32, #tpu.memory_space<vmem>>) attributes {dimension_semantics = [#tpu.dimension_semantics<arbitrary>], iteration_bounds = array<i64: 7>, scalar_prefetch = 0 : i64, scratch_operands = 0 : i64, tpu.core_type = #tpu.core_type<tc>, window_params = [{transform_indices = @transform_0, window_bounds = array<i64: 32, 1792>}, {transform_indices = @transform_1, window_bounds = array<i64: 32, 1792>}, {transform_indices = @transform_2, window_bounds = array<i64: 32, 1792>}, {transform_indices = @transform_3, window_bounds = array<i64: 32, 1792>}, {transform_indices = @transform_4, window_bounds = array<i64: 32, 1792>}, {transform_indices = @transform_5, window_bounds = array<i64: 32, 1792>}, {transform_indices = @transform_6, window_bounds = array<i64: 32, 1792>}, {transform_indices = @transform_7, window_bounds = array<i64: 32, 1792>}, {pipeline_mode = #tpu.pipeline_mode<synchronous>, transform_indices = @transform_8, window_bounds = array<i64: 256, 128>}, {pipeline_mode = #tpu.pipeline_mode<synchronous>, transform_indices = @transform_9, window_bounds = array<i64: 256, 128>}, {transform_indices = @transform_10, window_bounds = array<i64: 1792, 128>}]} {
    %get3A = arith.constant 0 : index
    %get3A_0 = arith.constant 0 : index
    %get3A_1 = vector.load %arg1[%get3A, %get3A_0] : memref<32x1792xf32, #tpu.memory_space<vmem>>, vector<32x1792xf32>
    %get3A_2 = arith.constant 0 : index
    %get3A_3 = arith.constant 0 : index
    %get3A_4 = vector.load %arg2[%get3A_2, %get3A_3] : memref<32x1792xf32, #tpu.memory_space<vmem>>, vector<32x1792xf32>
    %get3A_5 = arith.constant 0 : index
    %get3A_6 = arith.constant 0 : index
    %get3A_7 = vector.load %arg3[%get3A_5, %get3A_6] : memref<32x1792xf32, #tpu.memory_space<vmem>>, vector<32x1792xf32>
    %get3A_8 = arith.constant 0 : index
    %get3A_9 = arith.constant 0 : index
    %get3A_10 = vector.load %arg4[%get3A_8, %get3A_9] : memref<32x1792xf32, #tpu.memory_space<vmem>>, vector<32x1792xf32>
    %get3A_11 = arith.constant 0 : index
    %get3A_12 = arith.constant 0 : index
    %get3A_13 = vector.load %arg5[%get3A_11, %get3A_12] : memref<32x1792xf32, #tpu.memory_space<vmem>>, vector<32x1792xf32>
    %get3A_14 = arith.constant 0 : index
    %get3A_15 = arith.constant 0 : index
    %get3A_16 = vector.load %arg6[%get3A_14, %get3A_15] : memref<32x1792xf32, #tpu.memory_space<vmem>>, vector<32x1792xf32>
    %get3A_17 = arith.constant 0 : index
    %get3A_18 = arith.constant 0 : index
    %get3A_19 = vector.load %arg7[%get3A_17, %get3A_18] : memref<32x1792xf32, #tpu.memory_space<vmem>>, vector<32x1792xf32>
    %get3A_20 = arith.constant 0 : index
    %get3A_21 = arith.constant 0 : index
    %get3A_22 = vector.load %arg8[%get3A_20, %get3A_21] : memref<32x1792xf32, #tpu.memory_space<vmem>>, vector<32x1792xf32>
    %concatenate3A = tpu.concatenate %get3A_1, %get3A_4, %get3A_7, %get3A_10, %get3A_13, %get3A_16, %get3A_19, %get3A_22 in 0 : vector<32x1792xf32>, vector<32x1792xf32>, vector<32x1792xf32>, vector<32x1792xf32>, vector<32x1792xf32>, vector<32x1792xf32>, vector<32x1792xf32>, vector<32x1792xf32> -> vector<256x1792xf32>
    %convert_element_type3A = arith.truncf %concatenate3A : vector<256x1792xf32> to vector<256x1792xbf16>
    %get3A_23 = arith.constant 0 : index
    %get3A_24 = arith.constant 0 : index
    %get3A_25 = vector.load %arg9[%get3A_23, %get3A_24] : memref<256x128xbf16, #tpu.memory_space<vmem>>, vector<256x128xbf16>
    %dot_general3A = arith.constant dense<0.000000e+00> : vector<1792x128xf32>
    %dot_general3A_26 = tpu.matmul %convert_element_type3A, %get3A_25, %dot_general3A {dimension_numbers = #tpu.dot_dimension_numbers<[0], [0], [1], [1], [0, 1, 1, 1], [], []>, transpose_lhs_hint = false} : vector<256x1792xbf16>, vector<256x128xbf16>, vector<1792x128xf32> -> vector<1792x128xf32>
    %get3A_27 = arith.constant 0 : index
    %get3A_28 = arith.constant 0 : index
    %get3A_29 = vector.load %arg10[%get3A_27, %get3A_28] : memref<256x128xbf16, #tpu.memory_space<vmem>>, vector<256x128xbf16>
    %dot_general3A_30 = arith.constant dense<0.000000e+00> : vector<1792x128xf32>
    %dot_general3A_31 = tpu.matmul %convert_element_type3A, %get3A_29, %dot_general3A_30 {dimension_numbers = #tpu.dot_dimension_numbers<[0], [0], [1], [1], [0, 1, 1, 1], [], []>, transpose_lhs_hint = false} : vector<256x1792xbf16>, vector<256x128xbf16>, vector<1792x128xf32> -> vector<1792x128xf32>
    %convert_element_type3A_32 = arith.truncf %dot_general3A_26 : vector<1792x128xf32> to vector<1792x128xbf16>
    %bitcast_convert_type3A = tpu.bitcast %convert_element_type3A_32 : vector<1792x128xbf16> -> vector<1792x128xi16>
    %convert_element_type3A_33 = arith.truncf %dot_general3A_31 : vector<1792x128xf32> to vector<1792x128xbf16>
    %bitcast_convert_type3A_34 = tpu.bitcast %convert_element_type3A_33 : vector<1792x128xbf16> -> vector<1792x128xi16>
    %convert_element_type3A_35 = arith.extui %bitcast_convert_type3A : vector<1792x128xi16> to vector<1792x128xi32>
    %convert_element_type3A_36 = arith.extui %bitcast_convert_type3A_34 : vector<1792x128xi16> to vector<1792x128xi32>
    %shift_left3A = arith.constant 16 : i32
    %shift_left3A_37 = vector.broadcast %shift_left3A : i32 to vector<1792x128xi32>
    %shift_left3A_38 = arith.shli %convert_element_type3A_36, %shift_left3A_37 : vector<1792x128xi32>
    %or3A = arith.ori %convert_element_type3A_35, %shift_left3A_38 : vector<1792x128xi32>
    %bitcast_convert_type3A_39 = tpu.bitcast %or3A : vector<1792x128xi32> -> vector<1792x128xi32>
    %swap3A = arith.constant 0 : index
    %swap3A_40 = arith.constant 0 : index
    %swap3A_41 = vector.load %arg11[%swap3A, %swap3A_40] : memref<1792x128xi32, #tpu.memory_space<vmem>>, vector<1792x128xi32>
    tpu.vector_store %arg11[%swap3A, %swap3A_40], %bitcast_convert_type3A_39 {strides = array<i32>} : memref<1792x128xi32, #tpu.memory_space<vmem>>, vector<1792x128xi32>,
    return
  }
  func.func @transform_0(%arg0: i32) -> (i32, i32) {
    %add3A = arith.constant 0 : i32
    %add3A_0 = arith.addi %arg0, %add3A : i32
    %min3A = arith.constant 55 : i32
    %min3A_1 = arith.minsi %add3A_0, %min3A : i32
    %c0_i32 = arith.constant 0 : i32
    %c0_i32_2 = arith.constant 0 : i32
    return %c0_i32, %min3A_1 : i32, i32
  }
  func.func @transform_1(%arg0: i32) -> (i32, i32) {
    %add3A = arith.constant 7 : i32
    %add3A_0 = arith.addi %arg0, %add3A : i32
    %min3A = arith.constant 55 : i32
    %min3A_1 = arith.minsi %add3A_0, %min3A : i32
    %c0_i32 = arith.constant 0 : i32
    %c0_i32_2 = arith.constant 0 : i32
    return %c0_i32, %min3A_1 : i32, i32
  }
  func.func @transform_2(%arg0: i32) -> (i32, i32) {
    %add3A = arith.constant 14 : i32
    %add3A_0 = arith.addi %arg0, %add3A : i32
    %min3A = arith.constant 55 : i32
    %min3A_1 = arith.minsi %add3A_0, %min3A : i32
    %c0_i32 = arith.constant 0 : i32
    %c0_i32_2 = arith.constant 0 : i32
    return %c0_i32, %min3A_1 : i32, i32
  }
  func.func @transform_3(%arg0: i32) -> (i32, i32) {
    %add3A = arith.constant 21 : i32
    %add3A_0 = arith.addi %arg0, %add3A : i32
    %min3A = arith.constant 55 : i32
    %min3A_1 = arith.minsi %add3A_0, %min3A : i32
    %c0_i32 = arith.constant 0 : i32
    %c0_i32_2 = arith.constant 0 : i32
    return %c0_i32, %min3A_1 : i32, i32
  }
  func.func @transform_4(%arg0: i32) -> (i32, i32) {
    %add3A = arith.constant 28 : i32
    %add3A_0 = arith.addi %arg0, %add3A : i32
    %min3A = arith.constant 55 : i32
    %min3A_1 = arith.minsi %add3A_0, %min3A : i32
    %c0_i32 = arith.constant 0 : i32
    %c0_i32_2 = arith.constant 0 : i32
    return %c0_i32, %min3A_1 : i32, i32
  }
  func.func @transform_5(%arg0: i32) -> (i32, i32) {
    %add3A = arith.constant 35 : i32
    %add3A_0 = arith.addi %arg0, %add3A : i32
    %min3A = arith.constant 55 : i32
    %min3A_1 = arith.minsi %add3A_0, %min3A : i32
    %c0_i32 = arith.constant 0 : i32
    %c0_i32_2 = arith.constant 0 : i32
    return %c0_i32, %min3A_1 : i32, i32
  }
  func.func @transform_6(%arg0: i32) -> (i32, i32) {
    %add3A = arith.constant 42 : i32
    %add3A_0 = arith.addi %arg0, %add3A : i32
    %min3A = arith.constant 55 : i32
    %min3A_1 = arith.minsi %add3A_0, %min3A : i32
    %c0_i32 = arith.constant 0 : i32
    %c0_i32_2 = arith.constant 0 : i32
    return %c0_i32, %min3A_1 : i32, i32
  }
  func.func @transform_7(%arg0: i32) -> (i32, i32) {
    %add3A = arith.constant 49 : i32
    %add3A_0 = arith.addi %arg0, %add3A : i32
    %min3A = arith.constant 55 : i32
    %min3A_1 = arith.minsi %add3A_0, %min3A : i32
    %c0_i32 = arith.constant 0 : i32
    %c0_i32_2 = arith.constant 0 : i32
    return %c0_i32, %min3A_1 : i32, i32
  }
  func.func @transform_8(%arg0: i32) -> (i32, i32) {
    %c0_i32 = arith.constant 0 : i32
    %c0_i32_0 = arith.constant 0 : i32
    %c0_i32_1 = arith.constant 0 : i32
    return %c0_i32, %c0_i32_0 : i32, i32
  }
  func.func @transform_9(%arg0: i32) -> (i32, i32) {
    %c0_i32 = arith.constant 0 : i32
    %c0_i32_0 = arith.constant 0 : i32
    %c0_i32_1 = arith.constant 0 : i32
    return %c0_i32, %c0_i32_0 : i32, i32
  }
  func.func @transform_10(%arg0: i32) -> (i32, i32) {
    %c0_i32 = arith.constant 0 : i32
    %c0_i32_0 = arith.constant 0 : i32
    return %arg0, %c0_i32 : i32, i32
  }
}

module attributes {stable_mosaic.version = 14 : i64} {
  func.func @_transpose_body(%arg0: i32, %arg1: memref<32x8192xf32, #tpu.memory_space<vmem>>, %arg2: memref<32x8192xf32, #tpu.memory_space<vmem>>, %arg3: memref<32x8192xf32, #tpu.memory_space<vmem>>, %arg4: memref<32x8192xf32, #tpu.memory_space<vmem>>, %arg5: memref<32x8192xf32, #tpu.memory_space<vmem>>, %arg6: memref<32x8192xf32, #tpu.memory_space<vmem>>, %arg7: memref<32x8192xf32, #tpu.memory_space<vmem>>, %arg8: memref<32x8192xf32, #tpu.memory_space<vmem>>, %arg9: memref<256x128xbf16, #tpu.memory_space<vmem>>, %arg10: memref<256x128xbf16, #tpu.memory_space<vmem>>, %arg11: memref<8192x128xi32, #tpu.memory_space<vmem>>) attributes {dimension_semantics = [#tpu.dimension_semantics<arbitrary>], iteration_bounds = array<i64: 16>, scalar_prefetch = 0 : i64, scratch_operands = 0 : i64, tpu.core_type = #tpu.core_type<tc>, window_params = [{transform_indices = @transform_0, window_bounds = array<i64: 32, 8192>}, {transform_indices = @transform_1, window_bounds = array<i64: 32, 8192>}, {transform_indices = @transform_2, window_bounds = array<i64: 32, 8192>}, {transform_indices = @transform_3, window_bounds = array<i64: 32, 8192>}, {transform_indices = @transform_4, window_bounds = array<i64: 32, 8192>}, {transform_indices = @transform_5, window_bounds = array<i64: 32, 8192>}, {transform_indices = @transform_6, window_bounds = array<i64: 32, 8192>}, {transform_indices = @transform_7, window_bounds = array<i64: 32, 8192>}, {pipeline_mode = #tpu.pipeline_mode<synchronous>, transform_indices = @transform_8, window_bounds = array<i64: 256, 128>}, {pipeline_mode = #tpu.pipeline_mode<synchronous>, transform_indices = @transform_9, window_bounds = array<i64: 256, 128>}, {transform_indices = @transform_10, window_bounds = array<i64: 8192, 128>}]} {
    %get3A = arith.constant 0 : index
    %get3A_0 = arith.constant 0 : index
    %get3A_1 = vector.load %arg1[%get3A, %get3A_0] : memref<32x8192xf32, #tpu.memory_space<vmem>>, vector<32x8192xf32>
    %get3A_2 = arith.constant 0 : index
    %get3A_3 = arith.constant 0 : index
    %get3A_4 = vector.load %arg2[%get3A_2, %get3A_3] : memref<32x8192xf32, #tpu.memory_space<vmem>>, vector<32x8192xf32>
    %get3A_5 = arith.constant 0 : index
    %get3A_6 = arith.constant 0 : index
    %get3A_7 = vector.load %arg3[%get3A_5, %get3A_6] : memref<32x8192xf32, #tpu.memory_space<vmem>>, vector<32x8192xf32>
    %get3A_8 = arith.constant 0 : index
    %get3A_9 = arith.constant 0 : index
    %get3A_10 = vector.load %arg4[%get3A_8, %get3A_9] : memref<32x8192xf32, #tpu.memory_space<vmem>>, vector<32x8192xf32>
    %get3A_11 = arith.constant 0 : index
    %get3A_12 = arith.constant 0 : index
    %get3A_13 = vector.load %arg5[%get3A_11, %get3A_12] : memref<32x8192xf32, #tpu.memory_space<vmem>>, vector<32x8192xf32>
    %get3A_14 = arith.constant 0 : index
    %get3A_15 = arith.constant 0 : index
    %get3A_16 = vector.load %arg6[%get3A_14, %get3A_15] : memref<32x8192xf32, #tpu.memory_space<vmem>>, vector<32x8192xf32>
    %get3A_17 = arith.constant 0 : index
    %get3A_18 = arith.constant 0 : index
    %get3A_19 = vector.load %arg7[%get3A_17, %get3A_18] : memref<32x8192xf32, #tpu.memory_space<vmem>>, vector<32x8192xf32>
    %get3A_20 = arith.constant 0 : index
    %get3A_21 = arith.constant 0 : index
    %get3A_22 = vector.load %arg8[%get3A_20, %get3A_21] : memref<32x8192xf32, #tpu.memory_space<vmem>>, vector<32x8192xf32>
    %concatenate3A = tpu.concatenate %get3A_1, %get3A_4, %get3A_7, %get3A_10, %get3A_13, %get3A_16, %get3A_19, %get3A_22 in 0 : vector<32x8192xf32>, vector<32x8192xf32>, vector<32x8192xf32>, vector<32x8192xf32>, vector<32x8192xf32>, vector<32x8192xf32>, vector<32x8192xf32>, vector<32x8192xf32> -> vector<256x8192xf32>
    %convert_element_type3A = arith.truncf %concatenate3A : vector<256x8192xf32> to vector<256x8192xbf16>
    %get3A_23 = arith.constant 0 : index
    %get3A_24 = arith.constant 0 : index
    %get3A_25 = vector.load %arg9[%get3A_23, %get3A_24] : memref<256x128xbf16, #tpu.memory_space<vmem>>, vector<256x128xbf16>
    %dot_general3A = arith.constant dense<0.000000e+00> : vector<8192x128xf32>
    %dot_general3A_26 = tpu.matmul %convert_element_type3A, %get3A_25, %dot_general3A {dimension_numbers = #tpu.dot_dimension_numbers<[0], [0], [1], [1], [0, 1, 1, 1], [], []>, transpose_lhs_hint = false} : vector<256x8192xbf16>, vector<256x128xbf16>, vector<8192x128xf32> -> vector<8192x128xf32>
    %get3A_27 = arith.constant 0 : index
    %get3A_28 = arith.constant 0 : index
    %get3A_29 = vector.load %arg10[%get3A_27, %get3A_28] : memref<256x128xbf16, #tpu.memory_space<vmem>>, vector<256x128xbf16>
    %dot_general3A_30 = arith.constant dense<0.000000e+00> : vector<8192x128xf32>
    %dot_general3A_31 = tpu.matmul %convert_element_type3A, %get3A_29, %dot_general3A_30 {dimension_numbers = #tpu.dot_dimension_numbers<[0], [0], [1], [1], [0, 1, 1, 1], [], []>, transpose_lhs_hint = false} : vector<256x8192xbf16>, vector<256x128xbf16>, vector<8192x128xf32> -> vector<8192x128xf32>
    %convert_element_type3A_32 = arith.truncf %dot_general3A_26 : vector<8192x128xf32> to vector<8192x128xbf16>
    %bitcast_convert_type3A = tpu.bitcast %convert_element_type3A_32 : vector<8192x128xbf16> -> vector<8192x128xi16>
    %convert_element_type3A_33 = arith.truncf %dot_general3A_31 : vector<8192x128xf32> to vector<8192x128xbf16>
    %bitcast_convert_type3A_34 = tpu.bitcast %convert_element_type3A_33 : vector<8192x128xbf16> -> vector<8192x128xi16>
    %convert_element_type3A_35 = arith.extui %bitcast_convert_type3A : vector<8192x128xi16> to vector<8192x128xi32>
    %convert_element_type3A_36 = arith.extui %bitcast_convert_type3A_34 : vector<8192x128xi16> to vector<8192x128xi32>
    %shift_left3A = arith.constant 16 : i32
    %shift_left3A_37 = vector.broadcast %shift_left3A : i32 to vector<8192x128xi32>
    %shift_left3A_38 = arith.shli %convert_element_type3A_36, %shift_left3A_37 : vector<8192x128xi32>
    %or3A = arith.ori %convert_element_type3A_35, %shift_left3A_38 : vector<8192x128xi32>
    %bitcast_convert_type3A_39 = tpu.bitcast %or3A : vector<8192x128xi32> -> vector<8192x128xi32>
    %swap3A = arith.constant 0 : index
    %swap3A_40 = arith.constant 0 : index
    %swap3A_41 = vector.load %arg11[%swap3A, %swap3A_40] : memref<8192x128xi32, #tpu.memory_space<vmem>>, vector<8192x128xi32>
    tpu.vector_store %arg11[%swap3A, %swap3A_40], %bitcast_convert_type3A_39 {strides = array<i32>} : memref<8192x128xi32, #tpu.memory_space<vmem>>, vector<8192x128xi32>,
    return
  }
  func.func @transform_0(%arg0: i32) -> (i32, i32) {
    %add3A = arith.constant 0 : i32
    %add3A_0 = arith.addi %arg0, %add3A : i32
    %min3A = arith.constant 122 : i32
    %min3A_1 = arith.minsi %add3A_0, %min3A : i32
    %c0_i32 = arith.constant 0 : i32
    %c0_i32_2 = arith.constant 0 : i32
    return %c0_i32, %min3A_1 : i32, i32
  }
  func.func @transform_1(%arg0: i32) -> (i32, i32) {
    %add3A = arith.constant 16 : i32
    %add3A_0 = arith.addi %arg0, %add3A : i32
    %min3A = arith.constant 122 : i32
    %min3A_1 = arith.minsi %add3A_0, %min3A : i32
    %c0_i32 = arith.constant 0 : i32
    %c0_i32_2 = arith.constant 0 : i32
    return %c0_i32, %min3A_1 : i32, i32
  }
  func.func @transform_2(%arg0: i32) -> (i32, i32) {
    %add3A = arith.constant 32 : i32
    %add3A_0 = arith.addi %arg0, %add3A : i32
    %min3A = arith.constant 122 : i32
    %min3A_1 = arith.minsi %add3A_0, %min3A : i32
    %c0_i32 = arith.constant 0 : i32
    %c0_i32_2 = arith.constant 0 : i32
    return %c0_i32, %min3A_1 : i32, i32
  }
  func.func @transform_3(%arg0: i32) -> (i32, i32) {
    %add3A = arith.constant 48 : i32
    %add3A_0 = arith.addi %arg0, %add3A : i32
    %min3A = arith.constant 122 : i32
    %min3A_1 = arith.minsi %add3A_0, %min3A : i32
    %c0_i32 = arith.constant 0 : i32
    %c0_i32_2 = arith.constant 0 : i32
    return %c0_i32, %min3A_1 : i32, i32
  }
  func.func @transform_4(%arg0: i32) -> (i32, i32) {
    %add3A = arith.constant 64 : i32
    %add3A_0 = arith.addi %arg0, %add3A : i32
    %min3A = arith.constant 122 : i32
    %min3A_1 = arith.minsi %add3A_0, %min3A : i32
    %c0_i32 = arith.constant 0 : i32
    %c0_i32_2 = arith.constant 0 : i32
    return %c0_i32, %min3A_1 : i32, i32
  }
  func.func @transform_5(%arg0: i32) -> (i32, i32) {
    %add3A = arith.constant 80 : i32
    %add3A_0 = arith.addi %arg0, %add3A : i32
    %min3A = arith.constant 122 : i32
    %min3A_1 = arith.minsi %add3A_0, %min3A : i32
    %c0_i32 = arith.constant 0 : i32
    %c0_i32_2 = arith.constant 0 : i32
    return %c0_i32, %min3A_1 : i32, i32
  }
  func.func @transform_6(%arg0: i32) -> (i32, i32) {
    %add3A = arith.constant 96 : i32
    %add3A_0 = arith.addi %arg0, %add3A : i32
    %min3A = arith.constant 122 : i32
    %min3A_1 = arith.minsi %add3A_0, %min3A : i32
    %c0_i32 = arith.constant 0 : i32
    %c0_i32_2 = arith.constant 0 : i32
    return %c0_i32, %min3A_1 : i32, i32
  }
  func.func @transform_7(%arg0: i32) -> (i32, i32) {
    %add3A = arith.constant 112 : i32
    %add3A_0 = arith.addi %arg0, %add3A : i32
    %min3A = arith.constant 122 : i32
    %min3A_1 = arith.minsi %add3A_0, %min3A : i32
    %c0_i32 = arith.constant 0 : i32
    %c0_i32_2 = arith.constant 0 : i32
    return %c0_i32, %min3A_1 : i32, i32
  }
  func.func @transform_8(%arg0: i32) -> (i32, i32) {
    %c0_i32 = arith.constant 0 : i32
    %c0_i32_0 = arith.constant 0 : i32
    %c0_i32_1 = arith.constant 0 : i32
    return %c0_i32, %c0_i32_0 : i32, i32
  }
  func.func @transform_9(%arg0: i32) -> (i32, i32) {
    %c0_i32 = arith.constant 0 : i32
    %c0_i32_0 = arith.constant 0 : i32
    %c0_i32_1 = arith.constant 0 : i32
    return %c0_i32, %c0_i32_0 : i32, i32
  }
  func.func @transform_10(%arg0: i32) -> (i32, i32) {
    %c0_i32 = arith.constant 0 : i32
    %c0_i32_0 = arith.constant 0 : i32
    return %arg0, %c0_i32 : i32, i32
  }
}

module attributes {stable_mosaic.version = 14 : i64} {
  func.func @_mlp_body(%arg0: i32, %arg1: memref<4096x128xi32, #tpu.memory_space<vmem>>, %arg2: memref<4096x1xi32, #tpu.memory_space<vmem>>, %arg3: memref<4096x128xi32, #tpu.memory_space<vmem>>, %arg4: memref<4096x1xi32, #tpu.memory_space<vmem>>, %arg5: memref<4096x27xf32, #tpu.memory_space<vmem>>, %arg6: memref<256x200xf32, #tpu.memory_space<vmem>>, %arg7: memref<256x200xf32, #tpu.memory_space<vmem>>, %arg8: memref<27x200xf32, #tpu.memory_space<vmem>>, %arg9: memref<200xf32, #tpu.memory_space<vmem>>, %arg10: memref<200x100xf32, #tpu.memory_space<vmem>>, %arg11: memref<100xf32, #tpu.memory_space<vmem>>, %arg12: memref<100x1xf32, #tpu.memory_space<vmem>>, %arg13: memref<1xf32, #tpu.memory_space<vmem>>, %arg14: memref<4096x1xf32, #tpu.memory_space<vmem>>) attributes {dimension_semantics = [#tpu.dimension_semantics<arbitrary>], iteration_bounds = array<i64: 4>, scalar_prefetch = 0 : i64, scratch_operands = 0 : i64, tpu.core_type = #tpu.core_type<tc>, window_params = [{transform_indices = @transform_0, window_bounds = array<i64: 4096, 128>}, {transform_indices = @transform_1, window_bounds = array<i64: 4096, 1>}, {transform_indices = @transform_2, window_bounds = array<i64: 4096, 128>}, {transform_indices = @transform_3, window_bounds = array<i64: 4096, 1>}, {transform_indices = @transform_4, window_bounds = array<i64: 4096, 27>}, {pipeline_mode = #tpu.pipeline_mode<synchronous>, transform_indices = @transform_5, window_bounds = array<i64: 256, 200>}, {pipeline_mode = #tpu.pipeline_mode<synchronous>, transform_indices = @transform_6, window_bounds = array<i64: 256, 200>}, {pipeline_mode = #tpu.pipeline_mode<synchronous>, transform_indices = @transform_7, window_bounds = array<i64: 27, 200>}, {pipeline_mode = #tpu.pipeline_mode<synchronous>, transform_indices = @transform_8, window_bounds = array<i64: 200>}, {pipeline_mode = #tpu.pipeline_mode<synchronous>, transform_indices = @transform_9, window_bounds = array<i64: 200, 100>}, {pipeline_mode = #tpu.pipeline_mode<synchronous>, transform_indices = @transform_10, window_bounds = array<i64: 100>}, {pipeline_mode = #tpu.pipeline_mode<synchronous>, transform_indices = @transform_11, window_bounds = array<i64: 100, 1>}, {pipeline_mode = #tpu.pipeline_mode<synchronous>, transform_indices = @transform_12, window_bounds = array<i64: 1>}, {transform_indices = @transform_13, window_bounds = array<i64: 4096, 1>}]} {
    %iota3A = tpu.iota {dimensions = array<i32: 1>} : vector<4096x128xi32>
    %jit3A = arith.constant 16 : i32
    %div3A = vector.broadcast %jit3A : i32 to vector<4096x128xi32>
    %div3A_0 = arith.divsi %iota3A, %div3A : vector<4096x128xi32>
    %sign3A = arith.constant 0 : i32
    %sign3A_1 = vector.broadcast %sign3A : i32 to vector<4096x128xi32>
    %sign3A_2 = arith.cmpi sgt, %iota3A, %sign3A_1 : vector<4096x128xi32>
    %sign3A_3 = arith.extui %sign3A_2 : vector<4096x128xi1> to vector<4096x128xi32>
    %sign3A_4 = arith.constant 0 : i32
    %sign3A_5 = vector.broadcast %sign3A_4 : i32 to vector<4096x128xi32>
    %sign3A_6 = arith.cmpi slt, %iota3A, %sign3A_5 : vector<4096x128xi32>
    %sign3A_7 = arith.extui %sign3A_6 : vector<4096x128xi1> to vector<4096x128xi32>
    %sign3A_8 = arith.subi %sign3A_3, %sign3A_7 : vector<4096x128xi32>
    %sign3A_9 = arith.constant 0 : i32
    %sign3A_10 = arith.cmpi sgt, %jit3A, %sign3A_9 : i32
    %sign3A_11 = arith.extui %sign3A_10 : i1 to i32
    %sign3A_12 = arith.constant 0 : i32
    %sign3A_13 = arith.cmpi slt, %jit3A, %sign3A_12 : i32
    %sign3A_14 = arith.extui %sign3A_13 : i1 to i32
    %sign3A_15 = arith.subi %sign3A_11, %sign3A_14 : i32
    %ne3A = vector.broadcast %sign3A_15 : i32 to vector<4096x128xi32>
    %ne3A_16 = arith.cmpi ne, %sign3A_8, %ne3A : vector<4096x128xi32>
    %rem3A = vector.broadcast %jit3A : i32 to vector<4096x128xi32>
    %rem3A_17 = arith.remsi %iota3A, %rem3A : vector<4096x128xi32>
    %ne3A_18 = arith.constant 0 : i32
    %ne3A_19 = vector.broadcast %ne3A_18 : i32 to vector<4096x128xi32>
    %ne3A_20 = arith.cmpi ne, %rem3A_17, %ne3A_19 : vector<4096x128xi32>
    %and3A = arith.andi %ne3A_16, %ne3A_20 : vector<4096x128xi1>
    %sub3A = arith.constant 1 : i32
    %sub3A_21 = vector.broadcast %sub3A : i32 to vector<4096x128xi32>
    %sub3A_22 = arith.subi %div3A_0, %sub3A_21 : vector<4096x128xi32>
    %select_n3A = arith.select %and3A, %sub3A_22, %div3A_0 : vector<4096x128xi1>, vector<4096x128xi32>
    %get3A = arith.constant 0 : index
    %get3A_23 = arith.constant 0 : index
    %get3A_24 = vector.load %arg1[%get3A, %get3A_23] : memref<4096x128xi32, #tpu.memory_space<vmem>>, vector<4096x128xi32>
    %bitcast_convert_type3A = tpu.bitcast %get3A_24 : vector<4096x128xi32> -> vector<4096x128xi32>
    %and3A_25 = arith.constant 65535 : i32
    %and3A_26 = vector.broadcast %and3A_25 : i32 to vector<4096x128xi32>
    %and3A_27 = arith.andi %bitcast_convert_type3A, %and3A_26 : vector<4096x128xi32>
    %convert_element_type3A = arith.trunci %and3A_27 : vector<4096x128xi32> to vector<4096x128xi16>
    %bitcast_convert_type3A_28 = tpu.bitcast %convert_element_type3A : vector<4096x128xi16> -> vector<4096x128xbf16>
    %convert_element_type3A_29 = arith.extf %bitcast_convert_type3A_28 : vector<4096x128xbf16> to vector<4096x128xf32>
    %shift_right_logical3A = arith.constant 16 : i32
    %shift_right_logical3A_30 = vector.broadcast %shift_right_logical3A : i32 to vector<4096x128xi32>
    %shift_right_logical3A_31 = arith.shrui %bitcast_convert_type3A, %shift_right_logical3A_30 : vector<4096x128xi32>
    %convert_element_type3A_32 = arith.trunci %shift_right_logical3A_31 : vector<4096x128xi32> to vector<4096x128xi16>
    %bitcast_convert_type3A_33 = tpu.bitcast %convert_element_type3A_32 : vector<4096x128xi16> -> vector<4096x128xbf16>
    %convert_element_type3A_34 = arith.extf %bitcast_convert_type3A_33 : vector<4096x128xbf16> to vector<4096x128xf32>
    %get3A_35 = arith.constant 0 : index
    %get3A_36 = arith.constant 0 : index
    %get3A_37 = vector.load %arg3[%get3A_35, %get3A_36] : memref<4096x128xi32, #tpu.memory_space<vmem>>, vector<4096x128xi32>
    %bitcast_convert_type3A_38 = tpu.bitcast %get3A_37 : vector<4096x128xi32> -> vector<4096x128xi32>
    %and3A_39 = arith.constant 65535 : i32
    %and3A_40 = vector.broadcast %and3A_39 : i32 to vector<4096x128xi32>
    %and3A_41 = arith.andi %bitcast_convert_type3A_38, %and3A_40 : vector<4096x128xi32>
    %convert_element_type3A_42 = arith.trunci %and3A_41 : vector<4096x128xi32> to vector<4096x128xi16>
    %bitcast_convert_type3A_43 = tpu.bitcast %convert_element_type3A_42 : vector<4096x128xi16> -> vector<4096x128xbf16>
    %convert_element_type3A_44 = arith.extf %bitcast_convert_type3A_43 : vector<4096x128xbf16> to vector<4096x128xf32>
    %shift_right_logical3A_45 = arith.constant 16 : i32
    %shift_right_logical3A_46 = vector.broadcast %shift_right_logical3A_45 : i32 to vector<4096x128xi32>
    %shift_right_logical3A_47 = arith.shrui %bitcast_convert_type3A_38, %shift_right_logical3A_46 : vector<4096x128xi32>
    %convert_element_type3A_48 = arith.trunci %shift_right_logical3A_47 : vector<4096x128xi32> to vector<4096x128xi16>
    %bitcast_convert_type3A_49 = tpu.bitcast %convert_element_type3A_48 : vector<4096x128xi16> -> vector<4096x128xbf16>
    %convert_element_type3A_50 = arith.extf %bitcast_convert_type3A_49 : vector<4096x128xbf16> to vector<4096x128xf32>
    %get3A_51 = arith.constant 0 : index
    %get3A_52 = arith.constant 0 : index
    %get3A_53 = vector.load %arg2[%get3A_51, %get3A_52] : memref<4096x1xi32, #tpu.memory_space<vmem>>, vector<4096x1xi32>
    %eq3A = vector.broadcast %get3A_53 : vector<4096x1xi32> to vector<4096x128xi32>
    %eq3A_54 = arith.cmpi eq, %select_n3A, %eq3A : vector<4096x128xi32>
    %get3A_55 = arith.constant 0 : index
    %get3A_56 = arith.constant 0 : index
    %get3A_57 = vector.load %arg4[%get3A_55, %get3A_56] : memref<4096x1xi32, #tpu.memory_space<vmem>>, vector<4096x1xi32>
    %eq3A_58 = vector.broadcast %get3A_57 : vector<4096x1xi32> to vector<4096x128xi32>
    %eq3A_59 = arith.cmpi eq, %select_n3A, %eq3A_58 : vector<4096x128xi32>
    %jit3A_60 = arith.constant 0.000000e+00 : f32
    %broadcast_in_dim3A = vector.broadcast %jit3A_60 : f32 to vector<4096x128xf32>
    %select_n3A_61 = arith.select %eq3A_54, %convert_element_type3A_29, %broadcast_in_dim3A : vector<4096x128xi1>, vector<4096x128xf32>
    %jit3A_62 = arith.constant 0.000000e+00 : f32
    %broadcast_in_dim3A_63 = vector.broadcast %jit3A_62 : f32 to vector<4096x128xf32>
    %select_n3A_64 = arith.select %eq3A_59, %convert_element_type3A_44, %broadcast_in_dim3A_63 : vector<4096x128xi1>, vector<4096x128xf32>
    %concatenate3A = tpu.concatenate %select_n3A_61, %select_n3A_64 in 1 : vector<4096x128xf32>, vector<4096x128xf32> -> vector<4096x256xf32>
    %jit3A_65 = arith.constant 0.000000e+00 : f32
    %broadcast_in_dim3A_66 = vector.broadcast %jit3A_65 : f32 to vector<4096x128xf32>
    %select_n3A_67 = arith.select %eq3A_54, %convert_element_type3A_34, %broadcast_in_dim3A_66 : vector<4096x128xi1>, vector<4096x128xf32>
    %jit3A_68 = arith.constant 0.000000e+00 : f32
    %broadcast_in_dim3A_69 = vector.broadcast %jit3A_68 : f32 to vector<4096x128xf32>
    %select_n3A_70 = arith.select %eq3A_59, %convert_element_type3A_50, %broadcast_in_dim3A_69 : vector<4096x128xi1>, vector<4096x128xf32>
    %concatenate3A_71 = tpu.concatenate %select_n3A_67, %select_n3A_70 in 1 : vector<4096x128xf32>, vector<4096x128xf32> -> vector<4096x256xf32>
    %get3A_72 = arith.constant 0 : index
    %get3A_73 = arith.constant 0 : index
    %get3A_74 = vector.load %arg6[%get3A_72, %get3A_73] : memref<256x200xf32, #tpu.memory_space<vmem>>, vector<256x200xf32>
    %dot_general3A = arith.constant dense<0.000000e+00> : vector<4096x200xf32>
    %dot_general3A_75 = tpu.matmul %concatenate3A, %get3A_74, %dot_general3A {dimension_numbers = #tpu.dot_dimension_numbers<[1], [0], [0], [1], [0, 0, 1, 1], [], []>, transpose_lhs_hint = false} : vector<4096x256xf32>, vector<256x200xf32>, vector<4096x200xf32> -> vector<4096x200xf32>
    %get3A_76 = arith.constant 0 : index
    %get3A_77 = arith.constant 0 : index
    %get3A_78 = vector.load %arg7[%get3A_76, %get3A_77] : memref<256x200xf32, #tpu.memory_space<vmem>>, vector<256x200xf32>
    %dot_general3A_79 = arith.constant dense<0.000000e+00> : vector<4096x200xf32>
    %dot_general3A_80 = tpu.matmul %concatenate3A_71, %get3A_78, %dot_general3A_79 {dimension_numbers = #tpu.dot_dimension_numbers<[1], [0], [0], [1], [0, 0, 1, 1], [], []>, transpose_lhs_hint = false} : vector<4096x256xf32>, vector<256x200xf32>, vector<4096x200xf32> -> vector<4096x200xf32>
    %add3A = arith.addf %dot_general3A_75, %dot_general3A_80 : vector<4096x200xf32>
    %get3A_81 = arith.constant 0 : index
    %get3A_82 = arith.constant 0 : index
    %get3A_83 = vector.load %arg5[%get3A_81, %get3A_82] : memref<4096x27xf32, #tpu.memory_space<vmem>>, vector<4096x27xf32>
    %get3A_84 = arith.constant 0 : index
    %get3A_85 = arith.constant 0 : index
    %get3A_86 = vector.load %arg8[%get3A_84, %get3A_85] : memref<27x200xf32, #tpu.memory_space<vmem>>, vector<27x200xf32>
    %dot_general3A_87 = arith.constant dense<0.000000e+00> : vector<4096x200xf32>
    %dot_general3A_88 = tpu.matmul %get3A_83, %get3A_86, %dot_general3A_87 {dimension_numbers = #tpu.dot_dimension_numbers<[1], [0], [0], [1], [0, 0, 1, 1], [], []>, transpose_lhs_hint = false} : vector<4096x27xf32>, vector<27x200xf32>, vector<4096x200xf32> -> vector<4096x200xf32>
    %add3A_89 = arith.addf %add3A, %dot_general3A_88 : vector<4096x200xf32>
    %get3A_90 = arith.constant 0 : index
    %get3A_91 = vector.load %arg9[%get3A_90] : memref<200xf32, #tpu.memory_space<vmem>>, vector<200xf32>
    %broadcast_in_dim3A_92 = vector.shape_cast %get3A_91 : vector<200xf32> to vector<1x200xf32>
    %add3A_93 = vector.broadcast %broadcast_in_dim3A_92 : vector<1x200xf32> to vector<4096x200xf32>
    %add3A_94 = arith.addf %add3A_89, %add3A_93 : vector<4096x200xf32>
    %max3A = arith.constant 0.000000e+00 : f32
    %max3A_95 = vector.broadcast %max3A : f32 to vector<4096x200xf32>
    %max3A_96 = arith.maximumf %add3A_94, %max3A_95 : vector<4096x200xf32>
    %get3A_97 = arith.constant 0 : index
    %get3A_98 = arith.constant 0 : index
    %get3A_99 = vector.load %arg10[%get3A_97, %get3A_98] : memref<200x100xf32, #tpu.memory_space<vmem>>, vector<200x100xf32>
    %dot_general3A_100 = arith.constant dense<0.000000e+00> : vector<4096x100xf32>
    %dot_general3A_101 = tpu.matmul %max3A_96, %get3A_99, %dot_general3A_100 {dimension_numbers = #tpu.dot_dimension_numbers<[1], [0], [0], [1], [0, 0, 1, 1], [], []>, transpose_lhs_hint = false} : vector<4096x200xf32>, vector<200x100xf32>, vector<4096x100xf32> -> vector<4096x100xf32>
    %get3A_102 = arith.constant 0 : index
    %get3A_103 = vector.load %arg11[%get3A_102] : memref<100xf32, #tpu.memory_space<vmem>>, vector<100xf32>
    %broadcast_in_dim3A_104 = vector.shape_cast %get3A_103 : vector<100xf32> to vector<1x100xf32>
    %add3A_105 = vector.broadcast %broadcast_in_dim3A_104 : vector<1x100xf32> to vector<4096x100xf32>
    %add3A_106 = arith.addf %dot_general3A_101, %add3A_105 : vector<4096x100xf32>
    %max3A_107 = arith.constant 0.000000e+00 : f32
    %max3A_108 = vector.broadcast %max3A_107 : f32 to vector<4096x100xf32>
    %max3A_109 = arith.maximumf %add3A_106, %max3A_108 : vector<4096x100xf32>
    %get3A_110 = arith.constant 0 : index
    %get3A_111 = arith.constant 0 : index
    %get3A_112 = vector.load %arg12[%get3A_110, %get3A_111] : memref<100x1xf32, #tpu.memory_space<vmem>>, vector<100x1xf32>
    %dot_general3A_113 = arith.constant dense<0.000000e+00> : vector<4096x1xf32>
    %dot_general3A_114 = tpu.matmul %max3A_109, %get3A_112, %dot_general3A_113 {dimension_numbers = #tpu.dot_dimension_numbers<[1], [0], [0], [1], [0, 0, 1, 1], [], []>, transpose_lhs_hint = false} : vector<4096x100xf32>, vector<100x1xf32>, vector<4096x1xf32> -> vector<4096x1xf32>
    %get3A_115 = arith.constant 0 : index
    %get3A_116 = vector.load %arg13[%get3A_115] : memref<1xf32, #tpu.memory_space<vmem>>, vector<1xf32>
    %broadcast_in_dim3A_117 = vector.shape_cast %get3A_116 : vector<1xf32> to vector<1x1xf32>
    %add3A_118 = vector.broadcast %broadcast_in_dim3A_117 : vector<1x1xf32> to vector<4096x1xf32>
    %add3A_119 = arith.addf %dot_general3A_114, %add3A_118 : vector<4096x1xf32>
    %logistic3A = arith.negf %add3A_119 : vector<4096x1xf32>
    %logistic3A_120 = math.exp %logistic3A : vector<4096x1xf32>
    %logistic3A_121 = arith.constant 1.000000e+00 : f32
    %logistic3A_122 = vector.broadcast %logistic3A_121 : f32 to vector<4096x1xf32>
    %logistic3A_123 = arith.addf %logistic3A_122, %logistic3A_120 : vector<4096x1xf32>
    %logistic3A_124 = arith.divf %logistic3A_122, %logistic3A_123 : vector<4096x1xf32>
    %mul3A = arith.constant 6.000000e+00 : f32
    %mul3A_125 = vector.broadcast %mul3A : f32 to vector<4096x1xf32>
    %mul3A_126 = arith.mulf %mul3A_125, %logistic3A_124 : vector<4096x1xf32>
    %swap3A = arith.constant 0 : index
    %swap3A_127 = arith.constant 0 : index
    %swap3A_128 = vector.load %arg14[%swap3A, %swap3A_127] : memref<4096x1xf32, #tpu.memory_space<vmem>>, vector<4096x1xf32>
    tpu.vector_store %arg14[%swap3A, %swap3A_127], %mul3A_126 {strides = array<i32>} : memref<4096x1xf32, #tpu.memory_space<vmem>>, vector<4096x1xf32>,
    return
  }
  func.func @transform_0(%arg0: i32) -> (i32, i32) {
    %c0_i32 = arith.constant 0 : i32
    %c0_i32_0 = arith.constant 0 : i32
    return %arg0, %c0_i32 : i32, i32
  }
  func.func @transform_1(%arg0: i32) -> (i32, i32) {
    %c0_i32 = arith.constant 0 : i32
    %c0_i32_0 = arith.constant 0 : i32
    return %arg0, %c0_i32 : i32, i32
  }
  func.func @transform_2(%arg0: i32) -> (i32, i32) {
    %c0_i32 = arith.constant 0 : i32
    %c0_i32_0 = arith.constant 0 : i32
    return %arg0, %c0_i32 : i32, i32
  }
  func.func @transform_3(%arg0: i32) -> (i32, i32) {
    %c0_i32 = arith.constant 0 : i32
    %c0_i32_0 = arith.constant 0 : i32
    return %arg0, %c0_i32 : i32, i32
  }
  func.func @transform_4(%arg0: i32) -> (i32, i32) {
    %c0_i32 = arith.constant 0 : i32
    %c0_i32_0 = arith.constant 0 : i32
    return %arg0, %c0_i32 : i32, i32
  }
  func.func @transform_5(%arg0: i32) -> (i32, i32) {
    %c0_i32 = arith.constant 0 : i32
    %c0_i32_0 = arith.constant 0 : i32
    %c0_i32_1 = arith.constant 0 : i32
    return %c0_i32, %c0_i32_0 : i32, i32
  }
  func.func @transform_6(%arg0: i32) -> (i32, i32) {
    %c0_i32 = arith.constant 0 : i32
    %c0_i32_0 = arith.constant 0 : i32
    %c0_i32_1 = arith.constant 0 : i32
    return %c0_i32, %c0_i32_0 : i32, i32
  }
  func.func @transform_7(%arg0: i32) -> (i32, i32) {
    %c0_i32 = arith.constant 0 : i32
    %c0_i32_0 = arith.constant 0 : i32
    %c0_i32_1 = arith.constant 0 : i32
    return %c0_i32, %c0_i32_0 : i32, i32
  }
  func.func @transform_8(%arg0: i32) -> i32 {
    %c0_i32 = arith.constant 0 : i32
    %c0_i32_0 = arith.constant 0 : i32
    return %c0_i32 : i32
  }
  func.func @transform_9(%arg0: i32) -> (i32, i32) {
    %c0_i32 = arith.constant 0 : i32
    %c0_i32_0 = arith.constant 0 : i32
    %c0_i32_1 = arith.constant 0 : i32
    return %c0_i32, %c0_i32_0 : i32, i32
  }
  func.func @transform_10(%arg0: i32) -> i32 {
    %c0_i32 = arith.constant 0 : i32
    %c0_i32_0 = arith.constant 0 : i32
    return %c0_i32 : i32
  }
  func.func @transform_11(%arg0: i32) -> (i32, i32) {
    %c0_i32 = arith.constant 0 : i32
    %c0_i32_0 = arith.constant 0 : i32
    %c0_i32_1 = arith.constant 0 : i32
    return %c0_i32, %c0_i32_0 : i32, i32
  }
  func.func @transform_12(%arg0: i32) -> i32 {
    %c0_i32 = arith.constant 0 : i32
    %c0_i32_0 = arith.constant 0 : i32
    return %c0_i32 : i32
  }
  func.func @transform_13(%arg0: i32) -> (i32, i32) {
    %c0_i32 = arith.constant 0 : i32
    %c0_i32_0 = arith.constant 0 : i32
    return %arg0, %c0_i32 : i32, i32
  }
}

</mosaic_0001>

<sc_bundles>
// kernel: kernel.10.cloned.1.call-start
scs
__scs_entry_jumppad:
0x0: {  	(pc) =	sbr.rel $0x88, $3  }
0x1: {  	(tag) =	ssettag $0x0;
	lr =	simm.s32 $0x1  }
0x2: {  	[smem:$0x3F94] =	sst lr;
	_ =	strace $0xD0000000  }
0x3: {  	_ = 	snop  }
0x4: {  	_ = 	snop  }
0x5: {  	_ = 	snop  }
0x6: {  	_ = 	snop  }
0x7: {  	_ = 	snop  }
__scs_overlays_trampoline_lowered:
0x8: {  	[smem:$0x3FA3] =	sst s0  }
0x9: {  	[smem:$0x3FA4] =	sst s1  }
0xa: {  	[smem:$0x3FA5] =	sst s2  }
0xb: {  	[smem:$0x3FA6] =	sst s3  }
0xc: {  	[smem:$0x3FA7] =	sst s4  }
0xd: {  	[smem:$0x3FA8] =	sst s5  }
0xe: {  	[smem:$0x3FA9] =	sst s6  }
0xf: {  	[smem:$0x3FAA] =	sst s7  }
0x10: {  	[smem:$0x3FAB] =	sst s8  }
0x11: {  	[smem:$0x3FAC] =	sst s9;
	s0 =	simm.s32 @!p0 $0x0  }
0x12: {  	s1 =	sld [smem:$0x3F92];
	s0 =	simm.s32 @p0 $0x1  }
0x13: {  	[smem:$0x3FAD] =	sst s0;
	s0 =	simm.s32 @!p1 $0x0  }
0x14: {  	s2 =	sld [smem:$0x3F91];
	s0 =	simm.s32 @p1 $0x1  }
0x15: {  	[smem:$0x3FAE] =	sst s0;
	s0 =	simm.s32 @!p2 $0x0  }
0x16: {  	s3 =	sld [smem:$0x3FDB];
	s0 =	simm.s32 @p2 $0x1  }
0x17: {  	s4 =	simm.s32 $0x1BF5;
	[smem:$0x3FB0] =	sst s0  }
0x18: {  	s0 =	sld [smem:$0x3F93];
	_ =	swait.ge [sflag:s4], $0x0  }
0x19: {  	s7 =	sld [smem:$0x3F94]  }
0x1a: {  	s8 =	sadd.s32 $0xFFFFE003, lr  }
0x1b: {  	s9 =	sadd.s32 $0xFFFFFEF7, lr;
	s5 =	simm.s32 $0xFFFFFFFF;
	p2 =	slt.u32 s8, $0xFFFFF086  }
0x1c: {  	p1 =	slt.u32 s9, $0xF7A;
	s5 =	simm.s32 @!p2 $0x0  }
0x1d: {  	s5 =	simm.s32 @p1 $0x1;
	p0 =	seq.s32 s7, s2  }
0x1e: {  	s7 =	smul.u32 @!p0 $0xF7A, s2;
	p2 =	seq.s32 @!p0 s5, $0x0  }
0x1f: {  	s9 =	smul.u32 $0xF7A, s1;
	s8 =	simm.s32 @!p0 $0x1BF5;
	p2 =	por !p2, p0  }
0x20: {  	[sflag:s8] =	ssyncset.s32 @!p0 $0xFFFFF086;
	s6 =	sadd.s32 @!p0 s3, s7;
	s7 =	simm.s32 @!p0 $0x108  }
0x21: {  	s3 =	sadd.s32 s3, s9;
	s6 =	sadd.s32 @!p0 $0x88, s6;
	s7 =	simm.s32 @p2 $0x1082  }
0x22: {  	[simem:s7], [sflag:s8] =	dma.local @!p0 [hbm:s6], $0xF7A  }
0x23: {  	s9 =	sor.u32 $0xD0000000, s2;
	s6 =	simm.s32 $0x108;
	_ =	swait.ge @!p0 [sflag:s8], $0x0  }
0x24: {  	s3 =	sadd.s32 $0x88, s3;
	s6 =	simm.s32 @!p1 $0x1082;
	[sflag:s4] =	ssyncset.s32 $0xFFFFF086  }
0x25: {  	[simem:s6], [sflag:s4] =	dma.local [hbm:s3], $0xF7A  }
0x26: {  	[smem:$0x3F94] =	sst s1;
	(tag) =	ssettag s2;
	_ =	strace s9  }
0x27: {  	s1 =	sld [smem:$0x3FA4]  }
0x28: {  	s2 =	sld [smem:$0x3FA5]  }
0x29: {  	s4 =	sld [smem:$0x3FA7]  }
0x2a: {  	p0 =	seq.s32 s5, $0x0;
	s5 =	sld [smem:$0x3FA8]  }
0x2b: {  	s6 =	sld [smem:$0x3FA9]  }
0x2c: {  	s7 =	sld [smem:$0x3FAA]  }
0x2d: {  	s3 =	simm.s32 $0x108;
	s8 =	sld [smem:$0x3FAB]  }
0x2e: {  	s3 =	simm.s32 @!p0 $0x1082;
	s9 =	sld [smem:$0x3FAC]  }
0x2f: {  	lr =	sadd.s32 s0, s3;
	s0 =	sld [smem:$0x3FA3]  }
0x30: {  	s3 =	sld [smem:$0x3FA6]  }
0x31: {  	[smem:$0x3FAF] =	sst s10  }
0x32: {  	s10 =	sld [smem:$0x3FAD];
	_ =	sdelay $0x3  }
0x33: {  	p0 =	seq.s32 s10, $0x1;
	s10 =	sld [smem:$0x3FAF];
	_ =	sdelay $0x3  }
0x34: {  	[smem:$0x3FAF] =	sst s10  }
0x35: {  	s10 =	sld [smem:$0x3FAE];
	_ =	sdelay $0x3  }
0x36: {  	p1 =	seq.s32 s10, $0x1;
	s10 =	sld [smem:$0x3FAF];
	_ =	sdelay $0x3  }
0x37: {  	[smem:$0x3FAF] =	sst s10  }
0x38: {  	s10 =	sld [smem:$0x3FB0]  }
0x39: {  	_ = 	snop;
	(pc) =	sbr.ind lr, $3  }
0x3a: {  	_ = 	snop  }
0x3b: {  	_ = 	snop  }
0x3c: {  	p2 =	seq.s32 s10, $0x1;
	s10 =	sld [smem:$0x3FAF]  }
0x3d: {  	_ =	shalt  }
0x3e: {  	_ =	shalt  }
0x3f: {  	_ =	shalt  }
0x40: {  	_ =	shalt  }
0x41: {  	_ =	shalt  }
0x42: {  	_ =	shalt  }
0x43: {  	_ =	shalt  }
0x44: {  	_ =	shalt  }
0x45: {  	_ =	shalt  }
0x46: {  	_ =	shalt  }
0x47: {  	_ =	shalt  }
0x48: {  	_ =	shalt  }
0x49: {  	_ =	shalt  }
0x4a: {  	_ =	shalt  }
0x4b: {  	_ =	shalt  }
0x4c: {  	_ =	shalt  }
0x4d: {  	_ =	shalt  }
0x4e: {  	_ =	shalt  }
0x4f: {  	_ =	shalt  }
0x50: {  	_ =	shalt  }
0x51: {  	_ =	shalt  }
0x52: {  	_ =	shalt  }
0x53: {  	_ =	shalt  }
0x54: {  	_ =	shalt  }
0x55: {  	_ =	shalt  }
0x56: {  	_ =	shalt  }
0x57: {  	_ =	shalt  }
0x58: {  	_ =	shalt  }
0x59: {  	_ =	shalt  }
0x5a: {  	_ =	shalt  }
0x5b: {  	_ =	shalt  }
0x5c: {  	_ =	shalt  }
0x5d: {  	_ =	shalt  }
0x5e: {  	_ =	shalt  }
0x5f: {  	_ =	shalt  }
0x60: {  	_ =	shalt  }
0x61: {  	_ =	shalt  }
0x62: {  	_ =	shalt  }
0x63: {  	_ =	shalt  }
0x64: {  	_ =	shalt  }
0x65: {  	_ =	shalt  }
0x66: {  	_ =	shalt  }
0x67: {  	_ =	shalt  }
0x68: {  	_ =	shalt  }
0x69: {  	_ =	shalt  }
0x6a: {  	_ =	shalt  }
0x6b: {  	_ =	shalt  }
0x6c: {  	_ =	shalt  }
0x6d: {  	_ =	shalt  }
0x6e: {  	_ =	shalt  }
0x6f: {  	_ =	shalt  }
0x70: {  	_ =	shalt  }
0x71: {  	_ =	shalt  }
0x72: {  	_ =	shalt  }
0x73: {  	_ =	shalt  }
0x74: {  	_ =	shalt  }
0x75: {  	_ =	shalt  }
0x76: {  	_ =	shalt  }
0x77: {  	_ =	shalt  }
0x78: {  	_ =	shalt  }
0x79: {  	_ =	shalt  }
0x7a: {  	_ =	shalt  }
0x7b: {  	_ =	shalt  }
0x7c: {  	_ =	shalt  }
0x7d: {  	_ =	shalt  }
0x7e: {  	_ =	shalt  }
0x7f: {  	_ =	shalt  }
0x80: {  	_ =	shalt  }
0x81: {  	_ =	shalt  }
0x82: {  	_ =	shalt  }
0x83: {  	_ =	shalt  }
0x84: {  	_ =	shalt  }
0x85: {  	_ =	shalt  }
0x86: {  	_ =	shalt  }
0x87: {  	_ =	shalt  }
.Lfunc_end0:
.L_simem_size_0:
called_computation.1_lowered:
.L_overlay_start_0:
0x88: {  	s2 =	sld [smem:$0x3FD9]  }
0x89: {  	s3 =	sld [smem:$0x3FFE];
	_ =	sdelay $0x1  }
0x8a: {  	s1 =	srdreg.scid  }
0x8b: {  	s0 =	sand.u32 $0x1, s1  }
0x8c: {  	s16 =	sshll.u32 s0, $0xA;
	s2 =	sadd.s32 s3, s2  }
0x8d: {  	s2 =	sadd.s32 s2, s16  }
0x8e: {  	[smem:$0x3FBB] =	sst s2  }
0x8f: {  	_ = 	snop  }
0x90: {  	(tm) =	ssettm $0x1  }
0x91: {  	s17 =	sld [smem:$0x3FFB];
	_ =	sdelay $0x3  }
0x92: {  	_ =	strace s17  }
0x93: {  	s2 =	sld [smem:$0x3FFC];
	_ =	sdelay $0x3  }
0x94: {  	_ =	strace s2  }
0x95: {  	s2 =	sld [smem:$0x3FFD];
	_ =	sdelay $0x3  }
0x96: {  	_ =	strace s2  }
0x97: {  	_ =	strace $0x8FFFFFFF  }
0x98: {  	s18 =	sld [smem:$0x3FDB];
	_ =	sdelay $0x1  }
0x99: {  	s19 =	simm.s32 $_scs_section_size  }
0x9a: {  	s4 =	simm.s32 $_size__tile_overlayer_lowered;
	s5 =	simm.s32 $_tile_overlayer_lowered  }
0x9b: {  	s22 =	simm.s32 $0x1BFF;
	s21 =	sshll.u32 s5, $0x1;
	s2 =	sadd.s32 s19, s18  }
0x9c: {  	s6 =	simm.s32 $0x0;
	s20 =	sshll.u32 s4, $0x1;
	s4 =	sadd.s32 s21, s2  }
0x9d: {  	[timem:s6], [sflag:s22] =	dma.local [hbm:s4], s20  }
0x9e: {  	_ =	swait.ge [sflag:s22], s20  }
0x9f: {  	s3 =	ssub.s32 $0x0, s20;
	[sflag:s22] =	ssyncset.done $0x0  }
0xa0: {  	[sflag:s22] =	ssyncadd.s32 s3;
	_ =	sdelay $0x1  }
0xa1: {  	s23 =	simm.s32 $0x1B8B  }
0xa2: {  	_ =	swait.ge [sflag:s23], $0x1  }
0xa3: {  	[sflag:s23] =	ssyncset.done $0x0  }
0xa4: {  	s25 =	simm.s32 $0x1B8E;
	s24 =	sld [smem:$0x3FFE];
	[sflag:s23] =	ssyncadd.s32 $0xFFFFFFFF  }
0xa5: {  	s26 =	simm.s32 $execute0_lowered;
	[smem:$0x3FD2] =	sst s25  }
0xa6: {  	s4 =	sshll.u32 s26, $0x1;
	_ =	strace $0x80000046;
	[dreg:$0x1] =	wrdreg $0xFFFFFFFF  }
0xa7: {  	s28 =	simm.s32 $_size_execute0_lowered;
	s2 =	sadd.s32 s2, s4;
	[dreg:$0x0] =	wrdreg $0x0  }
0xa8: {  	s4 =	sshll.u32 s28, $0x1;
	[dreg:$0x2] =	wrdreg s2  }
0xa9: {  	[dreg:$0x3] =	wrdreg s4  }
0xaa: {  	[dreg:$0x4] =	wrdreg $0xC0  }
0xab: {  	_ =	task [dreg:s6], $0x5FFFF  }
0xac: {  	[dreg:$0x1] =	wrdreg $0xFFFFFFFF  }
0xad: {  	[dreg:$0x0] =	wrdreg $0x60  }
0xae: {  	[dreg:$0x2] =	wrdreg s24  }
0xaf: {  	[dreg:$0x3] =	wrdreg $0xA  }
0xb0: {  	_ =	task.clear_ibuf [dreg:s6], $0x4FFFF;
	_ =	strace $0x90000046  }
0xb1: {  	s29 =	simm.s32 $0xA;
	_ =	strace $0x80000048  }
0xb2: {  	_ =	swait.ge [sflag:s29], $0x1  }
0xb3: {  	[sflag:s29] =	ssyncadd.s32 $0xFFFFFFFF  }
0xb4: {  	_ =	strace $0x90000048  }
0xb5: {  	_ =	sfence  }
0xb6: {  	s30 =	sld [smem:$0x0];
	_ =	sdelay $0x2  }
0xb7: {  	s31 =	sshll.u32 s1, $0xD;
	s1 =	sshrl.u32 s1, $0x2  }
0xb8: {  	s3 =	sand.u32 $0x4000, s31;
	s1 =	sadd.s32 s1, s30  }
0xb9: {  	s0 =	sor.u32 s3, s0;
	s1 =	sshll.u32 s1, $0x11  }
0xba: {  	s0 =	sor.u32 s1, s0  }
0xbb: {  	s0 =	sadd.s32 $0x8F2B, s0  }
0xbc: {  	[sflag:s0] =	ssyncadd.remote.s32 $0x1  }
0xbd: {  	_ =	sfence.sel $0xFFFF  }
0xbe: {  	[dreg:$0x0] =	wrdreg $0xFFFFFFFF;
	(pc) =	sbr.abs _section_cstart, $3  }
0xbf: {  	[dreg:$0x1] =	wrdreg $0xFFFFFFFF  }
0xc0: {  	_ =	task.clear_ibuf [dreg:s6], $0x2FFFF;
	_ =	strace $0x9FFFFFFF  }
0xc1: {  	(tm) =	ssettm $0x7FFFFFFF  }
tec
execute0_lowered:
.L_overlay_start_1:
0x0: {  	(tag) =	ssettag $0x1  }
0x1: {  	s1 =	srdreg.scid  }
0x2: {  	s0 =	stileid.u32;
	s6 =	sand.u32 $0x1, s1  }
0x3: {  	s8 =	rddreg [dreg:$0x0];
	s30 =	sshll.u32 s0, $0xA;
	s2 =	sshll.u32 s6, $0x9  }
0x4: {  	s7 =	simm.s32 $0x1;
	s1 =	rddreg [dreg:$0x1];
	s9 =	sor.u32 s2, s30  }
0x5: {  	s5 =	sadd.s32 $0x4C00, s8;
	s2 =	simm.s32 $0x0;
	s3 =	sshrl.u32 s9, $0x3  }
0x6: {  	s10 =	ssub.s32 $0x2, s6;
	[smem:$0x7FF] =	sst s2;
	s3 =	sadd.s32 s3, s8  }
0x7: {  	_ =	strace $0x80000047;
	s4 =	sadd.s32 $0x4400, s3;
	s3 =	simm.s32 $0x2  }
0x8: {  	[tilespmem:s2], [sflag:$0x2] =	stream.linear.gather [hbm4b:s4+s2], $0x200, $0x38;
	[tilespmem:$0x10200] =	vst v63  }
0x9: {  	s6 =	simm.s32 $0x200;
	s11 =	sshrl.u32 s10, $0x1;
	_ =	swait.ge [sflag:s3], $0x200  }
0xa: {  	s9 =	sshll.u32 s9, $0x4;
	s31 =	ssub.s32 s10, s11;
	[sflag:s3] =	ssyncset.done $0x0  }
0xb: {  	s8 =	sadd.s32 s9, s8;
	s9 =	smax.u32 s31, $0x1;
	[sflag:s3] =	ssyncadd.s32 $0xFFFFFE00  }
0xc: {  	[tilespmem:s6], [sflag:$0x1] =	stream.indirect.gather [hbm4b:s5+s6], $0x80, s2, s6, $0xb8;
	[tilespmem:$0x10200] =	vst v63  }
0xd: {  	p0 =	sne.s32 s9, $0x1;
	_ =	swait.ge [sflag:s7], $0x10000  }
.Ltmp0:
0xe: {  	[sflag:s7] =	ssyncset.done $0x0;
	(pc) =	sbr.rel @!p0 .LBB2_2-.Ltmp0, $4  }
0xf: {  	s8 =	sadd.s32 $0x204C00, s8;
	[sflag:s7] =	ssyncadd.s32 $0xFFFF0000  }
0x10: {  	[hbm4b:s8+s2] =	stream.linear.scatter [tilespmem:s6], [sflag:$0x2], $0x10000, $0x38;
	[tilespmem:$0x10200] =	vst v63  }
0x11: {  	_ =	swait.ge [sflag:s3], $0x10000  }
0x12: {  	s9 =	sadd.s32 $0xFFFFFFFF, s9;
	[sflag:s3] =	ssyncset.done $0x0  }
.LBB2_1:
0x13: {  	p0 =	sne.s32 s9, $0x1;
	s9 =	sadd.s32 $0xFFFFFFFF, s9;
	[sflag:s3] =	ssyncadd.s32 $0xFFFF0000  }
0x14: {  	[tilespmem:s2], [sflag:$0x2] =	stream.linear.gather [hbm4b:s4+s2], $0x200, $0x38;
	[tilespmem:$0x10200] =	vst v63  }
0x15: {  	_ =	swait.ge [sflag:s3], $0x200  }
0x16: {  	[sflag:s3] =	ssyncset.done $0x0  }
0x17: {  	[sflag:s3] =	ssyncadd.s32 $0xFFFFFE00  }
0x18: {  	[tilespmem:s6], [sflag:$0x1] =	stream.indirect.gather [hbm4b:s5+s6], $0x80, s2, s6, $0xb8;
	[tilespmem:$0x10200] =	vst v63  }
0x19: {  	_ =	swait.ge [sflag:s7], $0x10000  }
.Ltmp1:
0x1a: {  	[sflag:s7] =	ssyncset.done $0x0;
	(pc) =	sbr.rel @p0 .LBB2_1-.Ltmp1, $4  }
0x1b: {  	[sflag:s7] =	ssyncadd.s32 $0xFFFF0000  }
0x1c: {  	[hbm4b:s8+s2] =	stream.linear.scatter [tilespmem:s6], [sflag:$0x2], $0x10000, $0x38;
	[tilespmem:$0x10200] =	vst v63  }
0x1d: {  	_ =	swait.ge [sflag:s3], $0x10000  }
0x1e: {  	[sflag:s3] =	ssyncset.done $0x0  }
.LBB2_2:
0x1f: {  	[sflag:s3] =	ssyncadd.s32 $0xFFFF0000  }
0x20: {  	_ =	sfence.sel $0x180000  }
0x21: {  	[bflag:$0x0] =	sbarrier.arrive $0xFFFF  }
0x22: {  	p0 =	sne.s32 s0, $0x0;
	_ =	strace $0x90000047  }
0x23: {  	s0 =	sadd.s32 @!p0 $0x100000, s1;
	[bflag:$0x2] =	sbarrier.arrive $0xFFFF  }
0x24: {  	[sflag:s0] =	ssyncadd.tile.s32 @!p0 $0x1;
	_ =	shalt  }
.Lfunc_end2:
_tile_overlayer_lowered:
.L_overlay_start_2:
0x25: {  	(tag) =	ssettag $0x2  }
0x26: {  	s0 =	rddreg [dreg:$0x0];
	s2 =	stileid.u32  }
0x27: {  	s1 =	rddreg [dreg:$0x1];
	p0 =	sne.s32 s2, $0x0  }
0x28: {  	s3 =	rddreg [dreg:$0x2];
	[bflag:$0x3] =	sbarrier.arrive $0xFFFF;
	s2 =	simm.s32 @!p0 $0x1C02  }
0x29: {  	[timem:s3], [sflag:s2] =	dma.local @!p0 [hbm:s0], s1  }
0x2a: {  	s0 =	simm.s32 @!p0 $0x2  }
0x2b: {  	_ =	swait.ge @!p0 [sflag:s0], s1  }
0x2c: {  	s1 =	ssub.s32 @!p0 $0x0, s1;
	[sflag:s0] =	ssyncset.done @!p0 $0x0  }
0x2d: {  	[sflag:s0] =	ssyncadd.s32 @!p0 s1  }
0x2e: {  	[bflag:$0x3] =	sbarrier.arrive $0xFFFF  }
0x2f: {  	_ =	shalt  }

// kernel: kernel.7.cloned.1.call-start
scs
__scs_entry_jumppad:
0x0: {  	(pc) =	sbr.rel $0x88, $3  }
0x1: {  	(tag) =	ssettag $0x0;
	lr =	simm.s32 $0x1  }
0x2: {  	[smem:$0x3F94] =	sst lr;
	_ =	strace $0xD0000000  }
0x3: {  	_ = 	snop  }
0x4: {  	_ = 	snop  }
0x5: {  	_ = 	snop  }
0x6: {  	_ = 	snop  }
0x7: {  	_ = 	snop  }
__scs_overlays_trampoline_lowered:
0x8: {  	[smem:$0x3FA3] =	sst s0  }
0x9: {  	[smem:$0x3FA4] =	sst s1  }
0xa: {  	[smem:$0x3FA5] =	sst s2  }
0xb: {  	[smem:$0x3FA6] =	sst s3  }
0xc: {  	[smem:$0x3FA7] =	sst s4  }
0xd: {  	[smem:$0x3FA8] =	sst s5  }
0xe: {  	[smem:$0x3FA9] =	sst s6  }
0xf: {  	[smem:$0x3FAA] =	sst s7  }
0x10: {  	[smem:$0x3FAB] =	sst s8  }
0x11: {  	[smem:$0x3FAC] =	sst s9;
	s0 =	simm.s32 @!p0 $0x0  }
0x12: {  	s1 =	sld [smem:$0x3F92];
	s0 =	simm.s32 @p0 $0x1  }
0x13: {  	[smem:$0x3FAD] =	sst s0;
	s0 =	simm.s32 @!p1 $0x0  }
0x14: {  	s2 =	sld [smem:$0x3F91];
	s0 =	simm.s32 @p1 $0x1  }
0x15: {  	[smem:$0x3FAE] =	sst s0;
	s0 =	simm.s32 @!p2 $0x0  }
0x16: {  	s3 =	sld [smem:$0x3FDB];
	s0 =	simm.s32 @p2 $0x1  }
0x17: {  	s4 =	simm.s32 $0x1BF5;
	[smem:$0x3FB0] =	sst s0  }
0x18: {  	s0 =	sld [smem:$0x3F93];
	_ =	swait.ge [sflag:s4], $0x0  }
0x19: {  	s7 =	sld [smem:$0x3F94]  }
0x1a: {  	s8 =	sadd.s32 $0xFFFFE003, lr  }
0x1b: {  	s9 =	sadd.s32 $0xFFFFFEF7, lr;
	s5 =	simm.s32 $0xFFFFFFFF;
	p2 =	slt.u32 s8, $0xFFFFF086  }
0x1c: {  	p1 =	slt.u32 s9, $0xF7A;
	s5 =	simm.s32 @!p2 $0x0  }
0x1d: {  	s5 =	simm.s32 @p1 $0x1;
	p0 =	seq.s32 s7, s2  }
0x1e: {  	s7 =	smul.u32 @!p0 $0xF7A, s2;
	p2 =	seq.s32 @!p0 s5, $0x0  }
0x1f: {  	s9 =	smul.u32 $0xF7A, s1;
	s8 =	simm.s32 @!p0 $0x1BF5;
	p2 =	por !p2, p0  }
0x20: {  	[sflag:s8] =	ssyncset.s32 @!p0 $0xFFFFF086;
	s6 =	sadd.s32 @!p0 s3, s7;
	s7 =	simm.s32 @!p0 $0x108  }
0x21: {  	s3 =	sadd.s32 s3, s9;
	s6 =	sadd.s32 @!p0 $0x88, s6;
	s7 =	simm.s32 @p2 $0x1082  }
0x22: {  	[simem:s7], [sflag:s8] =	dma.local @!p0 [hbm:s6], $0xF7A  }
0x23: {  	s9 =	sor.u32 $0xD0000000, s2;
	s6 =	simm.s32 $0x108;
	_ =	swait.ge @!p0 [sflag:s8], $0x0  }
0x24: {  	s3 =	sadd.s32 $0x88, s3;
	s6 =	simm.s32 @!p1 $0x1082;
	[sflag:s4] =	ssyncset.s32 $0xFFFFF086  }
0x25: {  	[simem:s6], [sflag:s4] =	dma.local [hbm:s3], $0xF7A  }
0x26: {  	[smem:$0x3F94] =	sst s1;
	(tag) =	ssettag s2;
	_ =	strace s9  }
0x27: {  	s1 =	sld [smem:$0x3FA4]  }
0x28: {  	s2 =	sld [smem:$0x3FA5]  }
0x29: {  	s4 =	sld [smem:$0x3FA7]  }
0x2a: {  	p0 =	seq.s32 s5, $0x0;
	s5 =	sld [smem:$0x3FA8]  }
0x2b: {  	s6 =	sld [smem:$0x3FA9]  }
0x2c: {  	s7 =	sld [smem:$0x3FAA]  }
0x2d: {  	s3 =	simm.s32 $0x108;
	s8 =	sld [smem:$0x3FAB]  }
0x2e: {  	s3 =	simm.s32 @!p0 $0x1082;
	s9 =	sld [smem:$0x3FAC]  }
0x2f: {  	lr =	sadd.s32 s0, s3;
	s0 =	sld [smem:$0x3FA3]  }
0x30: {  	s3 =	sld [smem:$0x3FA6]  }
0x31: {  	[smem:$0x3FAF] =	sst s10  }
0x32: {  	s10 =	sld [smem:$0x3FAD];
	_ =	sdelay $0x3  }
0x33: {  	p0 =	seq.s32 s10, $0x1;
	s10 =	sld [smem:$0x3FAF];
	_ =	sdelay $0x3  }
0x34: {  	[smem:$0x3FAF] =	sst s10  }
0x35: {  	s10 =	sld [smem:$0x3FAE];
	_ =	sdelay $0x3  }
0x36: {  	p1 =	seq.s32 s10, $0x1;
	s10 =	sld [smem:$0x3FAF];
	_ =	sdelay $0x3  }
0x37: {  	[smem:$0x3FAF] =	sst s10  }
0x38: {  	s10 =	sld [smem:$0x3FB0]  }
0x39: {  	_ = 	snop;
	(pc) =	sbr.ind lr, $3  }
0x3a: {  	_ = 	snop  }
0x3b: {  	_ = 	snop  }
0x3c: {  	p2 =	seq.s32 s10, $0x1;
	s10 =	sld [smem:$0x3FAF]  }
0x3d: {  	_ =	shalt  }
0x3e: {  	_ =	shalt  }
0x3f: {  	_ =	shalt  }
0x40: {  	_ =	shalt  }
0x41: {  	_ =	shalt  }
0x42: {  	_ =	shalt  }
0x43: {  	_ =	shalt  }
0x44: {  	_ =	shalt  }
0x45: {  	_ =	shalt  }
0x46: {  	_ =	shalt  }
0x47: {  	_ =	shalt  }
0x48: {  	_ =	shalt  }
0x49: {  	_ =	shalt  }
0x4a: {  	_ =	shalt  }
0x4b: {  	_ =	shalt  }
0x4c: {  	_ =	shalt  }
0x4d: {  	_ =	shalt  }
0x4e: {  	_ =	shalt  }
0x4f: {  	_ =	shalt  }
0x50: {  	_ =	shalt  }
0x51: {  	_ =	shalt  }
0x52: {  	_ =	shalt  }
0x53: {  	_ =	shalt  }
0x54: {  	_ =	shalt  }
0x55: {  	_ =	shalt  }
0x56: {  	_ =	shalt  }
0x57: {  	_ =	shalt  }
0x58: {  	_ =	shalt  }
0x59: {  	_ =	shalt  }
0x5a: {  	_ =	shalt  }
0x5b: {  	_ =	shalt  }
0x5c: {  	_ =	shalt  }
0x5d: {  	_ =	shalt  }
0x5e: {  	_ =	shalt  }
0x5f: {  	_ =	shalt  }
0x60: {  	_ =	shalt  }
0x61: {  	_ =	shalt  }
0x62: {  	_ =	shalt  }
0x63: {  	_ =	shalt  }
0x64: {  	_ =	shalt  }
0x65: {  	_ =	shalt  }
0x66: {  	_ =	shalt  }
0x67: {  	_ =	shalt  }
0x68: {  	_ =	shalt  }
0x69: {  	_ =	shalt  }
0x6a: {  	_ =	shalt  }
0x6b: {  	_ =	shalt  }
0x6c: {  	_ =	shalt  }
0x6d: {  	_ =	shalt  }
0x6e: {  	_ =	shalt  }
0x6f: {  	_ =	shalt  }
0x70: {  	_ =	shalt  }
0x71: {  	_ =	shalt  }
0x72: {  	_ =	shalt  }
0x73: {  	_ =	shalt  }
0x74: {  	_ =	shalt  }
0x75: {  	_ =	shalt  }
0x76: {  	_ =	shalt  }
0x77: {  	_ =	shalt  }
0x78: {  	_ =	shalt  }
0x79: {  	_ =	shalt  }
0x7a: {  	_ =	shalt  }
0x7b: {  	_ =	shalt  }
0x7c: {  	_ =	shalt  }
0x7d: {  	_ =	shalt  }
0x7e: {  	_ =	shalt  }
0x7f: {  	_ =	shalt  }
0x80: {  	_ =	shalt  }
0x81: {  	_ =	shalt  }
0x82: {  	_ =	shalt  }
0x83: {  	_ =	shalt  }
0x84: {  	_ =	shalt  }
0x85: {  	_ =	shalt  }
0x86: {  	_ =	shalt  }
0x87: {  	_ =	shalt  }
.Lfunc_end0:
.L_simem_size_0:
called_computation_lowered:
.L_overlay_start_0:
0x88: {  	s2 =	sld [smem:$0x3FD9]  }
0x89: {  	s3 =	sld [smem:$0x3FFE];
	_ =	sdelay $0x1  }
0x8a: {  	s1 =	srdreg.scid  }
0x8b: {  	s0 =	sand.u32 $0x1, s1  }
0x8c: {  	s17 =	sshll.u32 s0, $0xA;
	s2 =	sadd.s32 s3, s2  }
0x8d: {  	s2 =	sadd.s32 s2, s17  }
0x8e: {  	[smem:$0x3FBB] =	sst s2  }
0x8f: {  	_ = 	snop  }
0x90: {  	(tm) =	ssettm $0x1  }
0x91: {  	s18 =	sld [smem:$0x3FFB];
	_ =	sdelay $0x3  }
0x92: {  	_ =	strace s18  }
0x93: {  	s2 =	sld [smem:$0x3FFC];
	_ =	sdelay $0x3  }
0x94: {  	_ =	strace s2  }
0x95: {  	s2 =	sld [smem:$0x3FFD];
	_ =	sdelay $0x3  }
0x96: {  	_ =	strace s2  }
0x97: {  	_ =	strace $0x8FFFFFFF  }
0x98: {  	s19 =	sld [smem:$0x3FDB];
	_ =	sdelay $0x1  }
0x99: {  	s20 =	simm.s32 $_scs_section_size  }
0x9a: {  	s4 =	simm.s32 $_size__tile_overlayer_lowered;
	s5 =	simm.s32 $_tile_overlayer_lowered  }
0x9b: {  	s6 =	simm.s32 $0x1BFF;
	s21 =	sshll.u32 s5, $0x1;
	s3 =	sadd.s32 s20, s19  }
0x9c: {  	s22 =	simm.s32 $0x0;
	s4 =	sshll.u32 s4, $0x1;
	s5 =	sadd.s32 s21, s3  }
0x9d: {  	[timem:s22], [sflag:s6] =	dma.local [hbm:s5], s4  }
0x9e: {  	_ =	swait.ge [sflag:s6], s4  }
0x9f: {  	s4 =	ssub.s32 $0x0, s4;
	[sflag:s6] =	ssyncset.done $0x0  }
0xa0: {  	[sflag:s6] =	ssyncadd.s32 s4;
	_ =	sdelay $0x1  }
0xa1: {  	s23 =	simm.s32 $0x1B8B  }
0xa2: {  	_ =	swait.ge [sflag:s23], $0x1  }
0xa3: {  	[sflag:s23] =	ssyncset.done $0x0  }
0xa4: {  	[sflag:s23] =	ssyncadd.s32 $0xFFFFFFFF  }
0xa5: {  	s4 =	sld [smem:$0x0]  }
0xa6: {  	s5 =	sand.u32 $0xFFFFFFFE, s1  }
0xa7: {  	p0 =	sne.s32 s1, s5  }
0xa8: {  	s5 =	sshll.u32 @p0 s5, $0xE  }
0xa9: {  	s5 =	sadd.s32 @p0 $0x11B8D, s5;
	s6 =	sshll.u32 @p0 s4, $0x11  }
0xaa: {  	s5 =	sor.u32 @p0 s6, s5  }
0xab: {  	[sflag:s5] =	ssyncadd.remote.s32 @p0 $0x1;
	_ =	sdelay $0x1  }
0xac: {  	s5 =	simm.s32 @p0 $0x1B8D  }
0xad: {  	_ =	swait.eq @p0 [sflag:s5], $0x1  }
0xae: {  	[sflag:s5] =	ssyncadd.s32 @p0 $0xFFFFFFFF  }
0xaf: {  	s6 =	sshll.u32 @!p0 s1, $0xE  }
0xb0: {  	s6 =	sor.u32 @!p0 $0x4000, s6;
	s5 =	simm.s32 @!p0 $0x1B8D  }
0xb1: {  	s4 =	sshll.u32 @!p0 s4, $0x11;
	s6 =	sadd.s32 @!p0 $0x11B8D, s6;
	_ =	swait.eq @!p0 [sflag:s5], $0x1  }
0xb2: {  	s4 =	sor.u32 @!p0 s4, s6;
	[sflag:s5] =	ssyncadd.s32 @!p0 $0xFFFFFFFF  }
0xb3: {  	s25 =	simm.s32 $0x1B8E;
	s24 =	sld [smem:$0x3FFE];
	[sflag:s4] =	ssyncadd.remote.s32 @!p0 $0x1  }
0xb4: {  	s26 =	simm.s32 $execute0_lowered;
	[smem:$0x3FD2] =	sst s25  }
0xb5: {  	s5 =	sshll.u32 s26, $0x1;
	_ =	strace $0x80000049;
	[dreg:$0x1] =	wrdreg $0xFFFFFFFF  }
0xb6: {  	s28 =	simm.s32 $_size_execute0_lowered;
	s3 =	sadd.s32 s3, s5;
	[dreg:$0x0] =	wrdreg $0x0  }
0xb7: {  	s5 =	sshll.u32 s28, $0x1;
	[dreg:$0x2] =	wrdreg s3  }
0xb8: {  	[dreg:$0x3] =	wrdreg s5  }
0xb9: {  	[dreg:$0x4] =	wrdreg $0xC0  }
0xba: {  	_ =	task [dreg:s22], $0x5FFFF  }
0xbb: {  	[dreg:$0x1] =	wrdreg $0xFFFFFFFF  }
0xbc: {  	[dreg:$0x0] =	wrdreg $0x60  }
0xbd: {  	[dreg:$0x2] =	wrdreg s24  }
0xbe: {  	[dreg:$0x3] =	wrdreg $0x9  }
0xbf: {  	_ =	task.clear_ibuf [dreg:s22], $0x4FFFF;
	_ =	strace $0x90000049  }
0xc0: {  	s29 =	simm.s32 $0x9;
	_ =	strace $0x8000004B  }
0xc1: {  	_ =	swait.ge [sflag:s29], $0x1  }
0xc2: {  	[sflag:s29] =	ssyncadd.s32 $0xFFFFFFFF  }
0xc3: {  	_ =	strace $0x9000004B  }
0xc4: {  	_ =	sfence  }
0xc5: {  	s30 =	sld [smem:$0x0];
	_ =	sdelay $0x2  }
0xc6: {  	s31 =	sshll.u32 s1, $0xD;
	s1 =	sshrl.u32 s1, $0x2  }
0xc7: {  	s4 =	sand.u32 $0x4000, s31;
	s1 =	sadd.s32 s1, s30  }
0xc8: {  	s0 =	sor.u32 s4, s0;
	s1 =	sshll.u32 s1, $0x11  }
0xc9: {  	s0 =	sor.u32 s1, s0  }
0xca: {  	s0 =	sadd.s32 $0x8F2B, s0  }
0xcb: {  	[sflag:s0] =	ssyncadd.remote.s32 $0x1  }
0xcc: {  	_ =	sfence.sel $0xFFFF  }
0xcd: {  	[dreg:$0x0] =	wrdreg $0xFFFFFFFF;
	(pc) =	sbr.abs _section_cstart, $3  }
0xce: {  	[dreg:$0x1] =	wrdreg $0xFFFFFFFF  }
0xcf: {  	_ =	task.clear_ibuf [dreg:s22], $0x2FFFF;
	_ =	strace $0x9FFFFFFF  }
0xd0: {  	(tm) =	ssettm $0x7FFFFFFF  }
0xd1: {  	_ =	shalt  }
tec
execute0_lowered:
.L_overlay_start_1:
0x0: {  	(tag) =	ssettag $0x1  }
0x1: {  	s1 =	srdreg.scid  }
0x2: {  	s0 =	stileid.u32;
	s6 =	sand.u32 $0x1, s1  }
0x3: {  	s8 =	rddreg [dreg:$0x0];
	s30 =	sshll.u32 s0, $0xA;
	s2 =	sshll.u32 s6, $0x9  }
0x4: {  	s7 =	simm.s32 $0x1;
	s1 =	rddreg [dreg:$0x1];
	s9 =	sor.u32 s2, s30  }
0x5: {  	s5 =	sadd.s32 $0x244C00, s8;
	s2 =	simm.s32 $0x0;
	s3 =	sshrl.u32 s9, $0x3  }
0x6: {  	s10 =	ssub.s32 $0x2, s6;
	[smem:$0x7FF] =	sst s2;
	s3 =	sadd.s32 s3, s8  }
0x7: {  	_ =	strace $0x8000004A;
	s4 =	sadd.s32 $0x275C00, s3;
	s3 =	simm.s32 $0x2  }
0x8: {  	[tilespmem:s2], [sflag:$0x2] =	stream.linear.gather [hbm4b:s4+s2], $0x200, $0x38;
	[tilespmem:$0x10200] =	vst v63  }
0x9: {  	s6 =	simm.s32 $0x200;
	s11 =	sshrl.u32 s10, $0x1;
	_ =	swait.ge [sflag:s3], $0x200  }
0xa: {  	s9 =	sshll.u32 s9, $0x4;
	s31 =	ssub.s32 s10, s11;
	[sflag:s3] =	ssyncset.done $0x0  }
0xb: {  	s8 =	sadd.s32 s9, s8;
	s9 =	smax.u32 s31, $0x1;
	[sflag:s3] =	ssyncadd.s32 $0xFFFFFE00  }
0xc: {  	[tilespmem:s6], [sflag:$0x1] =	stream.indirect.gather [hbm4b:s5+s6], $0x80, s2, s6, $0xb8;
	[tilespmem:$0x10200] =	vst v63  }
0xd: {  	p0 =	sne.s32 s9, $0x1;
	_ =	swait.ge [sflag:s7], $0x10000  }
.Ltmp0:
0xe: {  	[sflag:s7] =	ssyncset.done $0x0;
	(pc) =	sbr.rel @!p0 .LBB2_2-.Ltmp0, $4  }
0xf: {  	s8 =	sadd.s32 $0x276400, s8;
	[sflag:s7] =	ssyncadd.s32 $0xFFFF0000  }
0x10: {  	[hbm4b:s8+s2] =	stream.linear.scatter [tilespmem:s6], [sflag:$0x2], $0x10000, $0x38;
	[tilespmem:$0x10200] =	vst v63  }
0x11: {  	_ =	swait.ge [sflag:s3], $0x10000  }
0x12: {  	s9 =	sadd.s32 $0xFFFFFFFF, s9;
	[sflag:s3] =	ssyncset.done $0x0  }
.LBB2_1:
0x13: {  	p0 =	sne.s32 s9, $0x1;
	s9 =	sadd.s32 $0xFFFFFFFF, s9;
	[sflag:s3] =	ssyncadd.s32 $0xFFFF0000  }
0x14: {  	[tilespmem:s2], [sflag:$0x2] =	stream.linear.gather [hbm4b:s4+s2], $0x200, $0x38;
	[tilespmem:$0x10200] =	vst v63  }
0x15: {  	_ =	swait.ge [sflag:s3], $0x200  }
0x16: {  	[sflag:s3] =	ssyncset.done $0x0  }
0x17: {  	[sflag:s3] =	ssyncadd.s32 $0xFFFFFE00  }
0x18: {  	[tilespmem:s6], [sflag:$0x1] =	stream.indirect.gather [hbm4b:s5+s6], $0x80, s2, s6, $0xb8;
	[tilespmem:$0x10200] =	vst v63  }
0x19: {  	_ =	swait.ge [sflag:s7], $0x10000  }
.Ltmp1:
0x1a: {  	[sflag:s7] =	ssyncset.done $0x0;
	(pc) =	sbr.rel @p0 .LBB2_1-.Ltmp1, $4  }
0x1b: {  	[sflag:s7] =	ssyncadd.s32 $0xFFFF0000  }
0x1c: {  	[hbm4b:s8+s2] =	stream.linear.scatter [tilespmem:s6], [sflag:$0x2], $0x10000, $0x38;
	[tilespmem:$0x10200] =	vst v63  }
0x1d: {  	_ =	swait.ge [sflag:s3], $0x10000  }
0x1e: {  	[sflag:s3] =	ssyncset.done $0x0  }
.LBB2_2:
0x1f: {  	[sflag:s3] =	ssyncadd.s32 $0xFFFF0000  }
0x20: {  	_ =	sfence.sel $0x180000  }
0x21: {  	[bflag:$0x0] =	sbarrier.arrive $0xFFFF  }
0x22: {  	p0 =	sne.s32 s0, $0x0;
	_ =	strace $0x9000004A  }
0x23: {  	s0 =	sadd.s32 @!p0 $0x100000, s1;
	[bflag:$0x2] =	sbarrier.arrive $0xFFFF  }
0x24: {  	[sflag:s0] =	ssyncadd.tile.s32 @!p0 $0x1;
	_ =	shalt  }
.Lfunc_end2:
_tile_overlayer_lowered:
.L_overlay_start_2:
0x25: {  	(tag) =	ssettag $0x2  }
0x26: {  	s0 =	rddreg [dreg:$0x0];
	s2 =	stileid.u32  }
0x27: {  	s1 =	rddreg [dreg:$0x1];
	p0 =	sne.s32 s2, $0x0  }
0x28: {  	s3 =	rddreg [dreg:$0x2];
	[bflag:$0x3] =	sbarrier.arrive $0xFFFF;
	s2 =	simm.s32 @!p0 $0x1C02  }
0x29: {  	[timem:s3], [sflag:s2] =	dma.local @!p0 [hbm:s0], s1  }
0x2a: {  	s0 =	simm.s32 @!p0 $0x2  }
0x2b: {  	_ =	swait.ge @!p0 [sflag:s0], s1  }
0x2c: {  	s1 =	ssub.s32 @!p0 $0x0, s1;
	[sflag:s0] =	ssyncset.done @!p0 $0x0  }
0x2d: {  	[sflag:s0] =	ssyncadd.s32 @!p0 s1  }
0x2e: {  	[bflag:$0x3] =	sbarrier.arrive $0xFFFF  }
0x2f: {  	_ =	shalt  }

</sc_bundles>
